<compile_context>
chip_gen: v7x
topology: tpu7x:2x2x1
jax: 0.10.2.dev20260603
libtpu: 0.0.44.dev20260713+nightly
codegen_flags: <defaults>
</compile_context>

<pallas_src>
import functools

import jax
import jax.numpy as jnp
from jax import lax
from jax.experimental import pallas as pl
from jax.experimental.pallas import tpu as pltpu
from jax.experimental.pallas import tpu_sc as plsc

D = 128
L = 16
NC = 2
NS = 16
NW = NC * NS
K = 128


def _sc_segment_sum(x_pad, row3, col3, n_pad, nch):
    rpt = n_pad // NS

    mesh = plsc.VectorSubcoreMesh(core_axis_name="c", subcore_axis_name="s")

    @functools.partial(
        pl.kernel,
        out_type=jax.ShapeDtypeStruct((NC, n_pad, D), jnp.float32),
        mesh=mesh,
        scratch_types=[
            pltpu.VMEM((nch // 2 + 2, K), jnp.int32),
            pltpu.VMEM((nch // 2, K), jnp.int32),
            pltpu.VMEM((K, D), jnp.float32),
            pltpu.VMEM((K, D), jnp.float32),
            pltpu.VMEM_SHARED((n_pad, D), jnp.float32),
            pltpu.SemaphoreType.DMA,
            pltpu.SemaphoreType.DMA,
        ],
    )
    def seg_sum(x_hbm, row_hbm, col_hbm, out_hbm,
                ri, ci, b0, b1, acc_sh, gs0, gs1):
        cid = lax.axis_index("c")
        sid = lax.axis_index("s")
        wid = cid * NS + sid
        half = nch // 2

        zeros16 = jnp.zeros((L,), jnp.float32)

        def zero_row(r):
            for c in range(0, D, L):
                b0[r, pl.ds(c, L)] = zeros16

        pl.loop(0, K)(zero_row)

        base = sid * rpt
        off = 0
        while off < rpt:
            n = min(K, rpt - off)
            pltpu.sync_copy(b0.at[pl.ds(0, n)], acc_sh.at[pl.ds(base + off, n)])
            off += n

        def ring(g):
            pltpu.make_async_copy(x_hbm.at[ri.at[g]], b0, gs0).wait()
            pltpu.sync_copy(b0, acc_sh.at[ci.at[g]], add=True)
            pltpu.async_copy(x_hbm.at[ri.at[g + 2]], b0, gs0)
            pltpu.make_async_copy(x_hbm.at[ri.at[g + 1]], b1, gs1).wait()
            pltpu.sync_copy(b1, acc_sh.at[ci.at[g + 1]], add=True)
            pltpu.async_copy(x_hbm.at[ri.at[g + 3]], b1, gs1)

        for p in range(2):
            pltpu.sync_copy(row_hbm.at[wid, p], ri)
            pltpu.sync_copy(col_hbm.at[wid, p], ci)
            pltpu.async_copy(x_hbm.at[ri.at[0]], b0, gs0)
            pltpu.async_copy(x_hbm.at[ri.at[1]], b1, gs1)
            if p == 0:
                plsc.subcore_barrier()
            pl.loop(0, half, step=2)(ring)
            pltpu.make_async_copy(x_hbm.at[ri.at[0]], b0, gs0).wait()
            pltpu.make_async_copy(x_hbm.at[ri.at[1]], b1, gs1).wait()

        plsc.subcore_barrier()

        pltpu.sync_copy(acc_sh.at[pl.ds(base, rpt)],
                        out_hbm.at[cid, pl.ds(base, rpt)])

    return seg_sum(x_pad, row3, col3)


def _tc_normalize(partials, n):
    br = 1000
    assert n % br == 0

    def body(p_ref, o_ref):
        p = p_ref[0] + p_ref[1]
        lns = 2.0 * p[:, 0] * p[:, 0] - jnp.sum(p * p, axis=1)
        bad = lns <= 1e-8
        basepoint = (lax.broadcasted_iota(jnp.int32, (br, D), 1) == 0)
        p = jnp.where(bad[:, None], basepoint.astype(jnp.float32), p)
        lns = jnp.where(bad, 1.0, lns)
        denom = jnp.maximum(jnp.sqrt(jnp.maximum(lns, 0.0)), 1e-12)
        out = p / denom[:, None]
        o_ref[...] = jnp.where((out[:, 0] <= 0.0)[:, None], -out, out)

    return pl.pallas_call(
        body,
        grid=(n // br,),
        in_specs=[pl.BlockSpec((2, br, D), lambda i: (0, i, 0))],
        out_specs=pl.BlockSpec((br, D), lambda i: (i, 0)),
        out_shape=jax.ShapeDtypeStruct((n, D), jnp.float32),
    )(partials)


def kernel(x, edge_index):
    n = x.shape[0]
    e = edge_index.shape[1]

    nch = -(-e // (NW * K * 4)) * 4
    e_pad = NW * K * nch
    n_pad = -(-(n + 1) // (NS * 8)) * (NS * 8)


    row = edge_index[0]
    col = edge_index[1]
    pad = e_pad - e
    ar = jnp.arange(pad, dtype=jnp.int32)
    spare = n_pad - n
    row3 = jnp.concatenate([row, ar % n]).reshape(NW, 2, nch // 2, K)
    col3 = jnp.concatenate([col, n + ar % spare]).reshape(NW, 2, nch // 2, K)
    extra = (jnp.arange(2 * K, dtype=jnp.int32) % n).reshape(1, 1, 2, K)
    row3 = jnp.concatenate(
        [row3, jnp.broadcast_to(extra, (NW, 2, 2, K))], axis=2)

    partials = _sc_segment_sum(x, row3, col3, n_pad, nch)
    return _tc_normalize(partials, n)

# --- scband reference (transcript-rebuilt; emitter-appended) ---
"""Pipeline reference for scband-lorentz-aggregator-10574209483386 (READ-ONLY COPY).

The authoritative reference and input builder live on the scoring server;
editing this copy changes nothing except your own understanding.
"""

import jax, jax.numpy as jnp
import numpy as np

N = 10000
E = 320000
D = 128  # ambient Lorentz dim (d+1)
C = 1.0  # curvature of the Lorentz manifold


def _lorentz_dot(a, b):
    # Minkowski inner product <a,b>_L = -a0*b0 + sum_i ai*bi
    return -a[..., 0] * b[..., 0] + jnp.sum(a[..., 1:] * b[..., 1:], axis=-1)


def setup_inputs(seed: int = 0) -> dict:
    key = jax.random.key(seed)
    k1, k2 = jax.random.split(key)
    # Valid points on the hyperboloid: x0 = sqrt(1/c + |x_spatial|^2)
    xs = jax.random.normal(k1, (N, D - 1), dtype=jnp.float32) * 0.1
    x0 = jnp.sqrt(1.0 / C + jnp.sum(xs * xs, axis=-1, keepdims=True))
    x = jnp.concatenate([x0, xs], axis=-1)
    edge_index = jax.random.randint(k2, (2, E), 0, N, dtype=jnp.int32)
    return {"x": x, "edge_index": edge_index}


def reference(x, edge_index):
    row, col = edge_index[0], edge_index[1]
    size = x.shape[0]
    # gather neighbor features (memory-bound gather)
    x_neighbors = x[row]
    # mean mode: softmax of zeros grouped by col == 1/in_degree per edge
    ones = jnp.ones(row.shape[0], dtype=jnp.float32)
    grp_count = jax.ops.segment_sum(ones, col, num_segments=size)
    soft = ones / jnp.clip(grp_count, 1e-16, None)[col]
    weights = soft  # alpha is None -> multiply by ones
    deg = jax.ops.segment_sum(weights, col, num_segments=size)
    deg = jnp.clip(deg, 1e-12, None)
    weights = weights / deg[col]
    # Minkowski weighted sum (scatter-add)
    weighted = weights[:, None] * x_neighbors
    aggregated = jax.ops.segment_sum(weighted, col, num_segments=size)
    lorentz_norm_sq = -_lorentz_dot(aggregated, aggregated)
    # fallback for non-timelike rows (only isolated/degenerate nodes): origin basepoint
    basepoint = jnp.zeros_like(aggregated).at[:, 0].set(1.0 / jnp.sqrt(C))
    non_timelike = lorentz_norm_sq <= 1e-8
    aggregated = jnp.where(non_timelike[:, None], basepoint, aggregated)
    lorentz_norm_sq = -_lorentz_dot(aggregated, aggregated)
    denom = jnp.clip(jnp.sqrt(jnp.clip(lorentz_norm_sq, 0.0, None)), 1e-12, None)
    normalized = aggregated / (denom[:, None] * jnp.sqrt(C))
    # upper-sheet correction
    normalized = jnp.where((normalized[:, 0] <= 0)[:, None], -normalized, normalized)
    return normalized

if __name__ == "__main__":
    import jax
    _d = setup_inputs()
    print(jax.jit(kernel)(*tuple(_d.values())))

</pallas_src>

<mosaic_0001>
#map = affine_map<(d0, d1) -> (0, 0)>
#map1 = affine_map<(d0, d1) -> (0, 0, 0, 0)>
#map2 = affine_map<(d0, d1) -> (0, 0, 0)>
module attributes {stable_mosaic.version = 14 : i64} {
  func.func @seg_sum(%arg0: i32, %arg1: i32, %arg2: memref<10000x128xf32, #tpu.memory_space<hbm>>, %arg3: memref<32x2x42x128xi32, #tpu.memory_space<hbm>>, %arg4: memref<32x2x40x128xi32, #tpu.memory_space<hbm>>, %arg5: memref<2x10112x128xf32, #tpu.memory_space<hbm>>, %arg6: memref<42x128xi32, #tpu.memory_space<vmem>>, %arg7: memref<40x128xi32, #tpu.memory_space<vmem>>, %arg8: memref<128x128xf32, #tpu.memory_space<vmem>>, %arg9: memref<128x128xf32, #tpu.memory_space<vmem>>, %arg10: memref<10112x128xf32, #tpu.memory_space<vmem_shared>>, %arg11: memref<!tpu.dma_semaphore, #tpu.memory_space<semaphore_mem>>, %arg12: memref<!tpu.dma_semaphore, #tpu.memory_space<semaphore_mem>>) attributes {dimension_semantics = [#tpu.dimension_semantics<core_parallel>, #tpu.dimension_semantics<subcore_parallel>], iteration_bounds = array<i64: 2, 16>, scalar_prefetch = 0 : i64, scratch_operands = 7 : i64, tpu.core_type = #tpu.core_type<sc_vector_subcore>, window_params = [{transform_indices = #map}, {transform_indices = #map1}, {transform_indices = #map1}, {transform_indices = #map2}]} {
    %mul3A = arith.constant 16 : i32
    %mul3A_0 = arith.muli %arg0, %mul3A : i32
    %add3A = arith.addi %mul3A_0, %arg1 : i32
    %broadcast_in_dim3A = arith.constant 0.000000e+00 : f32
    %broadcast_in_dim3A_1 = vector.broadcast %broadcast_in_dim3A : f32 to vector<16xf32>
    %scan3A = arith.constant 0 : i32
    %scan3A_2 = arith.constant 128 : i32
    %scan3A_3 = arith.addi %scan3A, %scan3A_2 : i32
    %scan3A_4 = arith.constant 1 : i32
    scf.for %scan3A_86 = %scan3A to %scan3A_3 step %scan3A_4  : i32 {
      %mul3A_87 = arith.constant 1 : i32
      %mul3A_88 = arith.muli %scan3A_86, %mul3A_87 : i32
      %add3A_89 = arith.constant 0 : i32
      %add3A_90 = arith.addi %add3A_89, %mul3A_88 : i32
      %swap3A = arith.index_cast %add3A_90 : i32 to index
      %swap3A_91 = arith.constant 0 : index
      %swap3A_92 = tpu.vector_load %arg8[%swap3A, %swap3A_91] {strides = array<i32>} : memref<128x128xf32, #tpu.memory_space<vmem>>, vector<1x16xf32>,
      %swap3A_93 = vector.shape_cast %swap3A_92 : vector<1x16xf32> to vector<16xf32>
      %swap3A_94 = vector.shape_cast %broadcast_in_dim3A_1 : vector<16xf32> to vector<1x16xf32>
      tpu.vector_store %arg8[%swap3A, %swap3A_91], %swap3A_94 {strides = array<i32>} : memref<128x128xf32, #tpu.memory_space<vmem>>, vector<1x16xf32>,
      %swap3A_95 = arith.index_cast %add3A_90 : i32 to index
      %swap3A_96 = arith.constant 16 : index
      %swap3A_97 = tpu.vector_load %arg8[%swap3A_95, %swap3A_96] {strides = array<i32>} : memref<128x128xf32, #tpu.memory_space<vmem>>, vector<1x16xf32>,
      %swap3A_98 = vector.shape_cast %swap3A_97 : vector<1x16xf32> to vector<16xf32>
      %swap3A_99 = vector.shape_cast %broadcast_in_dim3A_1 : vector<16xf32> to vector<1x16xf32>
      tpu.vector_store %arg8[%swap3A_95, %swap3A_96], %swap3A_99 {strides = array<i32>} : memref<128x128xf32, #tpu.memory_space<vmem>>, vector<1x16xf32>,
      %swap3A_100 = arith.index_cast %add3A_90 : i32 to index
      %swap3A_101 = arith.constant 32 : index
      %swap3A_102 = tpu.vector_load %arg8[%swap3A_100, %swap3A_101] {strides = array<i32>} : memref<128x128xf32, #tpu.memory_space<vmem>>, vector<1x16xf32>,
      %swap3A_103 = vector.shape_cast %swap3A_102 : vector<1x16xf32> to vector<16xf32>
      %swap3A_104 = vector.shape_cast %broadcast_in_dim3A_1 : vector<16xf32> to vector<1x16xf32>
      tpu.vector_store %arg8[%swap3A_100, %swap3A_101], %swap3A_104 {strides = array<i32>} : memref<128x128xf32, #tpu.memory_space<vmem>>, vector<1x16xf32>,
      %swap3A_105 = arith.index_cast %add3A_90 : i32 to index
      %swap3A_106 = arith.constant 48 : index
      %swap3A_107 = tpu.vector_load %arg8[%swap3A_105, %swap3A_106] {strides = array<i32>} : memref<128x128xf32, #tpu.memory_space<vmem>>, vector<1x16xf32>,
      %swap3A_108 = vector.shape_cast %swap3A_107 : vector<1x16xf32> to vector<16xf32>
      %swap3A_109 = vector.shape_cast %broadcast_in_dim3A_1 : vector<16xf32> to vector<1x16xf32>
      tpu.vector_store %arg8[%swap3A_105, %swap3A_106], %swap3A_109 {strides = array<i32>} : memref<128x128xf32, #tpu.memory_space<vmem>>, vector<1x16xf32>,
      %swap3A_110 = arith.index_cast %add3A_90 : i32 to index
      %swap3A_111 = arith.constant 64 : index
      %swap3A_112 = tpu.vector_load %arg8[%swap3A_110, %swap3A_111] {strides = array<i32>} : memref<128x128xf32, #tpu.memory_space<vmem>>, vector<1x16xf32>,
      %swap3A_113 = vector.shape_cast %swap3A_112 : vector<1x16xf32> to vector<16xf32>
      %swap3A_114 = vector.shape_cast %broadcast_in_dim3A_1 : vector<16xf32> to vector<1x16xf32>
      tpu.vector_store %arg8[%swap3A_110, %swap3A_111], %swap3A_114 {strides = array<i32>} : memref<128x128xf32, #tpu.memory_space<vmem>>, vector<1x16xf32>,
      %swap3A_115 = arith.index_cast %add3A_90 : i32 to index
      %swap3A_116 = arith.constant 80 : index
      %swap3A_117 = tpu.vector_load %arg8[%swap3A_115, %swap3A_116] {strides = array<i32>} : memref<128x128xf32, #tpu.memory_space<vmem>>, vector<1x16xf32>,
      %swap3A_118 = vector.shape_cast %swap3A_117 : vector<1x16xf32> to vector<16xf32>
      %swap3A_119 = vector.shape_cast %broadcast_in_dim3A_1 : vector<16xf32> to vector<1x16xf32>
      tpu.vector_store %arg8[%swap3A_115, %swap3A_116], %swap3A_119 {strides = array<i32>} : memref<128x128xf32, #tpu.memory_space<vmem>>, vector<1x16xf32>,
      %swap3A_120 = arith.index_cast %add3A_90 : i32 to index
      %swap3A_121 = arith.constant 96 : index
      %swap3A_122 = tpu.vector_load %arg8[%swap3A_120, %swap3A_121] {strides = array<i32>} : memref<128x128xf32, #tpu.memory_space<vmem>>, vector<1x16xf32>,
      %swap3A_123 = vector.shape_cast %swap3A_122 : vector<1x16xf32> to vector<16xf32>
      %swap3A_124 = vector.shape_cast %broadcast_in_dim3A_1 : vector<16xf32> to vector<1x16xf32>
      tpu.vector_store %arg8[%swap3A_120, %swap3A_121], %swap3A_124 {strides = array<i32>} : memref<128x128xf32, #tpu.memory_space<vmem>>, vector<1x16xf32>,
      %swap3A_125 = arith.index_cast %add3A_90 : i32 to index
      %swap3A_126 = arith.constant 112 : index
      %swap3A_127 = tpu.vector_load %arg8[%swap3A_125, %swap3A_126] {strides = array<i32>} : memref<128x128xf32, #tpu.memory_space<vmem>>, vector<1x16xf32>,
      %swap3A_128 = vector.shape_cast %swap3A_127 : vector<1x16xf32> to vector<16xf32>
      %swap3A_129 = vector.shape_cast %broadcast_in_dim3A_1 : vector<16xf32> to vector<1x16xf32>
      tpu.vector_store %arg8[%swap3A_125, %swap3A_126], %swap3A_129 {strides = array<i32>} : memref<128x128xf32, #tpu.memory_space<vmem>>, vector<1x16xf32>,
    }
    %scan3A_5 = arith.constant 128 : i32
    %mul3A_6 = arith.constant 632 : i32
    %mul3A_7 = arith.muli %arg1, %mul3A_6 : i32
    %add3A_8 = arith.constant 0 : i32
    %add3A_9 = arith.addi %mul3A_7, %add3A_8 : i32
    "tpu.region"() ({
      %run_scoped3A_86 = tpu.sem_alloc : memref<!tpu.dma_semaphore, #tpu.memory_space<semaphore_mem>>
      %dma_start3A_87 = arith.constant 0 : i32
      %dma_start3A_88 = arith.constant 0 : i32
      %dma_start3A_89 = tpu.memref_slice %arg8[%dma_start3A_87, %dma_start3A_88] : memref<128x128xf32, #tpu.memory_space<vmem>> -> memref<128x128xf32, #tpu.memory_space<vmem>>
      %dma_start3A_90 = arith.constant 0 : i32
      %dma_start3A_91 = tpu.memref_slice %arg10[%add3A_9, %dma_start3A_90] : memref<10112x128xf32, #tpu.memory_space<vmem_shared>> -> memref<128x128xf32, #tpu.memory_space<vmem_shared>>
      %dma_start3A_92 = arith.constant 0 : i32
      %dma_start3A_93 = tpu.memref_slice %arg10[%add3A_9, %dma_start3A_92] : memref<10112x128xf32, #tpu.memory_space<vmem_shared>> -> memref<128x128xf32, #tpu.memory_space<vmem_shared>>
      %dma_start3A_94 = arith.constant 0 : i32
      %dma_start3A_95 = arith.constant 0 : i32
      %dma_start3A_96 = tpu.memref_slice %arg8[%dma_start3A_94, %dma_start3A_95] : memref<128x128xf32, #tpu.memory_space<vmem>> -> memref<128x128xf32, #tpu.memory_space<vmem>>
      tpu.enqueue_dma source(%dma_start3A_96 : memref<128x128xf32, #tpu.memory_space<vmem>>) target(%dma_start3A_93 : memref<128x128xf32, #tpu.memory_space<vmem_shared>>) target_semaphore(%run_scoped3A_86 : memref<!tpu.dma_semaphore, #tpu.memory_space<semaphore_mem>>)
      %dma_wait3A_97 = arith.constant 0 : i32
      %dma_wait3A_98 = arith.constant 0 : i32
      %dma_wait3A_99 = tpu.memref_slice %arg8[%dma_wait3A_97, %dma_wait3A_98] : memref<128x128xf32, #tpu.memory_space<vmem>> -> memref<128x128xf32, #tpu.memory_space<vmem>>
      %dma_wait3A_100 = arith.constant 0 : i32
      %dma_wait3A_101 = tpu.memref_slice %arg10[%add3A_9, %dma_wait3A_100] : memref<10112x128xf32, #tpu.memory_space<vmem_shared>> -> memref<128x128xf32, #tpu.memory_space<vmem_shared>>
      %dma_wait3A_102 = arith.constant 0 : i32
      %dma_wait3A_103 = tpu.memref_slice %arg10[%add3A_9, %dma_wait3A_102] : memref<10112x128xf32, #tpu.memory_space<vmem_shared>> -> memref<128x128xf32, #tpu.memory_space<vmem_shared>>
      %dma_wait3A_104 = arith.constant 0 : i32
      %dma_wait3A_105 = arith.constant 0 : i32
      %dma_wait3A_106 = tpu.memref_slice %arg8[%dma_wait3A_104, %dma_wait3A_105] : memref<128x128xf32, #tpu.memory_space<vmem>> -> memref<128x128xf32, #tpu.memory_space<vmem>>
      tpu.wait_dma2 semaphore(%run_scoped3A_86 : memref<!tpu.dma_semaphore, #tpu.memory_space<semaphore_mem>>) src(%dma_wait3A_106 : memref<128x128xf32, #tpu.memory_space<vmem>>) dst(%dma_wait3A_103 : memref<128x128xf32, #tpu.memory_space<vmem_shared>>)
      tpu.yield
    }) : () -> ()
    %add3A_10 = arith.constant 128 : i32
    %add3A_11 = arith.addi %mul3A_7, %add3A_10 : i32
    "tpu.region"() ({
      %run_scoped3A_86 = tpu.sem_alloc : memref<!tpu.dma_semaphore, #tpu.memory_space<semaphore_mem>>
      %dma_start3A_87 = arith.constant 0 : i32
      %dma_start3A_88 = arith.constant 0 : i32
      %dma_start3A_89 = tpu.memref_slice %arg8[%dma_start3A_87, %dma_start3A_88] : memref<128x128xf32, #tpu.memory_space<vmem>> -> memref<128x128xf32, #tpu.memory_space<vmem>>
      %dma_start3A_90 = arith.constant 0 : i32
      %dma_start3A_91 = tpu.memref_slice %arg10[%add3A_11, %dma_start3A_90] : memref<10112x128xf32, #tpu.memory_space<vmem_shared>> -> memref<128x128xf32, #tpu.memory_space<vmem_shared>>
      %dma_start3A_92 = arith.constant 0 : i32
      %dma_start3A_93 = tpu.memref_slice %arg10[%add3A_11, %dma_start3A_92] : memref<10112x128xf32, #tpu.memory_space<vmem_shared>> -> memref<128x128xf32, #tpu.memory_space<vmem_shared>>
      %dma_start3A_94 = arith.constant 0 : i32
      %dma_start3A_95 = arith.constant 0 : i32
      %dma_start3A_96 = tpu.memref_slice %arg8[%dma_start3A_94, %dma_start3A_95] : memref<128x128xf32, #tpu.memory_space<vmem>> -> memref<128x128xf32, #tpu.memory_space<vmem>>
      tpu.enqueue_dma source(%dma_start3A_96 : memref<128x128xf32, #tpu.memory_space<vmem>>) target(%dma_start3A_93 : memref<128x128xf32, #tpu.memory_space<vmem_shared>>) target_semaphore(%run_scoped3A_86 : memref<!tpu.dma_semaphore, #tpu.memory_space<semaphore_mem>>)
      %dma_wait3A_97 = arith.constant 0 : i32
      %dma_wait3A_98 = arith.constant 0 : i32
      %dma_wait3A_99 = tpu.memref_slice %arg8[%dma_wait3A_97, %dma_wait3A_98] : memref<128x128xf32, #tpu.memory_space<vmem>> -> memref<128x128xf32, #tpu.memory_space<vmem>>
      %dma_wait3A_100 = arith.constant 0 : i32
      %dma_wait3A_101 = tpu.memref_slice %arg10[%add3A_11, %dma_wait3A_100] : memref<10112x128xf32, #tpu.memory_space<vmem_shared>> -> memref<128x128xf32, #tpu.memory_space<vmem_shared>>
      %dma_wait3A_102 = arith.constant 0 : i32
      %dma_wait3A_103 = tpu.memref_slice %arg10[%add3A_11, %dma_wait3A_102] : memref<10112x128xf32, #tpu.memory_space<vmem_shared>> -> memref<128x128xf32, #tpu.memory_space<vmem_shared>>
      %dma_wait3A_104 = arith.constant 0 : i32
      %dma_wait3A_105 = arith.constant 0 : i32
      %dma_wait3A_106 = tpu.memref_slice %arg8[%dma_wait3A_104, %dma_wait3A_105] : memref<128x128xf32, #tpu.memory_space<vmem>> -> memref<128x128xf32, #tpu.memory_space<vmem>>
      tpu.wait_dma2 semaphore(%run_scoped3A_86 : memref<!tpu.dma_semaphore, #tpu.memory_space<semaphore_mem>>) src(%dma_wait3A_106 : memref<128x128xf32, #tpu.memory_space<vmem>>) dst(%dma_wait3A_103 : memref<128x128xf32, #tpu.memory_space<vmem_shared>>)
      tpu.yield
    }) : () -> ()
    %add3A_12 = arith.constant 256 : i32
    %add3A_13 = arith.addi %mul3A_7, %add3A_12 : i32
    "tpu.region"() ({
      %run_scoped3A_86 = tpu.sem_alloc : memref<!tpu.dma_semaphore, #tpu.memory_space<semaphore_mem>>
      %dma_start3A_87 = arith.constant 0 : i32
      %dma_start3A_88 = arith.constant 0 : i32
      %dma_start3A_89 = tpu.memref_slice %arg8[%dma_start3A_87, %dma_start3A_88] : memref<128x128xf32, #tpu.memory_space<vmem>> -> memref<128x128xf32, #tpu.memory_space<vmem>>
      %dma_start3A_90 = arith.constant 0 : i32
      %dma_start3A_91 = tpu.memref_slice %arg10[%add3A_13, %dma_start3A_90] : memref<10112x128xf32, #tpu.memory_space<vmem_shared>> -> memref<128x128xf32, #tpu.memory_space<vmem_shared>>
      %dma_start3A_92 = arith.constant 0 : i32
      %dma_start3A_93 = tpu.memref_slice %arg10[%add3A_13, %dma_start3A_92] : memref<10112x128xf32, #tpu.memory_space<vmem_shared>> -> memref<128x128xf32, #tpu.memory_space<vmem_shared>>
      %dma_start3A_94 = arith.constant 0 : i32
      %dma_start3A_95 = arith.constant 0 : i32
      %dma_start3A_96 = tpu.memref_slice %arg8[%dma_start3A_94, %dma_start3A_95] : memref<128x128xf32, #tpu.memory_space<vmem>> -> memref<128x128xf32, #tpu.memory_space<vmem>>
      tpu.enqueue_dma source(%dma_start3A_96 : memref<128x128xf32, #tpu.memory_space<vmem>>) target(%dma_start3A_93 : memref<128x128xf32, #tpu.memory_space<vmem_shared>>) target_semaphore(%run_scoped3A_86 : memref<!tpu.dma_semaphore, #tpu.memory_space<semaphore_mem>>)
      %dma_wait3A_97 = arith.constant 0 : i32
      %dma_wait3A_98 = arith.constant 0 : i32
      %dma_wait3A_99 = tpu.memref_slice %arg8[%dma_wait3A_97, %dma_wait3A_98] : memref<128x128xf32, #tpu.memory_space<vmem>> -> memref<128x128xf32, #tpu.memory_space<vmem>>
      %dma_wait3A_100 = arith.constant 0 : i32
      %dma_wait3A_101 = tpu.memref_slice %arg10[%add3A_13, %dma_wait3A_100] : memref<10112x128xf32, #tpu.memory_space<vmem_shared>> -> memref<128x128xf32, #tpu.memory_space<vmem_shared>>
      %dma_wait3A_102 = arith.constant 0 : i32
      %dma_wait3A_103 = tpu.memref_slice %arg10[%add3A_13, %dma_wait3A_102] : memref<10112x128xf32, #tpu.memory_space<vmem_shared>> -> memref<128x128xf32, #tpu.memory_space<vmem_shared>>
      %dma_wait3A_104 = arith.constant 0 : i32
      %dma_wait3A_105 = arith.constant 0 : i32
      %dma_wait3A_106 = tpu.memref_slice %arg8[%dma_wait3A_104, %dma_wait3A_105] : memref<128x128xf32, #tpu.memory_space<vmem>> -> memref<128x128xf32, #tpu.memory_space<vmem>>
      tpu.wait_dma2 semaphore(%run_scoped3A_86 : memref<!tpu.dma_semaphore, #tpu.memory_space<semaphore_mem>>) src(%dma_wait3A_106 : memref<128x128xf32, #tpu.memory_space<vmem>>) dst(%dma_wait3A_103 : memref<128x128xf32, #tpu.memory_space<vmem_shared>>)
      tpu.yield
    }) : () -> ()
    %add3A_14 = arith.constant 384 : i32
    %add3A_15 = arith.addi %mul3A_7, %add3A_14 : i32
    "tpu.region"() ({
      %run_scoped3A_86 = tpu.sem_alloc : memref<!tpu.dma_semaphore, #tpu.memory_space<semaphore_mem>>
      %dma_start3A_87 = arith.constant 0 : i32
      %dma_start3A_88 = arith.constant 0 : i32
      %dma_start3A_89 = tpu.memref_slice %arg8[%dma_start3A_87, %dma_start3A_88] : memref<128x128xf32, #tpu.memory_space<vmem>> -> memref<128x128xf32, #tpu.memory_space<vmem>>
      %dma_start3A_90 = arith.constant 0 : i32
      %dma_start3A_91 = tpu.memref_slice %arg10[%add3A_15, %dma_start3A_90] : memref<10112x128xf32, #tpu.memory_space<vmem_shared>> -> memref<128x128xf32, #tpu.memory_space<vmem_shared>>
      %dma_start3A_92 = arith.constant 0 : i32
      %dma_start3A_93 = tpu.memref_slice %arg10[%add3A_15, %dma_start3A_92] : memref<10112x128xf32, #tpu.memory_space<vmem_shared>> -> memref<128x128xf32, #tpu.memory_space<vmem_shared>>
      %dma_start3A_94 = arith.constant 0 : i32
      %dma_start3A_95 = arith.constant 0 : i32
      %dma_start3A_96 = tpu.memref_slice %arg8[%dma_start3A_94, %dma_start3A_95] : memref<128x128xf32, #tpu.memory_space<vmem>> -> memref<128x128xf32, #tpu.memory_space<vmem>>
      tpu.enqueue_dma source(%dma_start3A_96 : memref<128x128xf32, #tpu.memory_space<vmem>>) target(%dma_start3A_93 : memref<128x128xf32, #tpu.memory_space<vmem_shared>>) target_semaphore(%run_scoped3A_86 : memref<!tpu.dma_semaphore, #tpu.memory_space<semaphore_mem>>)
      %dma_wait3A_97 = arith.constant 0 : i32
      %dma_wait3A_98 = arith.constant 0 : i32
      %dma_wait3A_99 = tpu.memref_slice %arg8[%dma_wait3A_97, %dma_wait3A_98] : memref<128x128xf32, #tpu.memory_space<vmem>> -> memref<128x128xf32, #tpu.memory_space<vmem>>
      %dma_wait3A_100 = arith.constant 0 : i32
      %dma_wait3A_101 = tpu.memref_slice %arg10[%add3A_15, %dma_wait3A_100] : memref<10112x128xf32, #tpu.memory_space<vmem_shared>> -> memref<128x128xf32, #tpu.memory_space<vmem_shared>>
      %dma_wait3A_102 = arith.constant 0 : i32
      %dma_wait3A_103 = tpu.memref_slice %arg10[%add3A_15, %dma_wait3A_102] : memref<10112x128xf32, #tpu.memory_space<vmem_shared>> -> memref<128x128xf32, #tpu.memory_space<vmem_shared>>
      %dma_wait3A_104 = arith.constant 0 : i32
      %dma_wait3A_105 = arith.constant 0 : i32
      %dma_wait3A_106 = tpu.memref_slice %arg8[%dma_wait3A_104, %dma_wait3A_105] : memref<128x128xf32, #tpu.memory_space<vmem>> -> memref<128x128xf32, #tpu.memory_space<vmem>>
      tpu.wait_dma2 semaphore(%run_scoped3A_86 : memref<!tpu.dma_semaphore, #tpu.memory_space<semaphore_mem>>) src(%dma_wait3A_106 : memref<128x128xf32, #tpu.memory_space<vmem>>) dst(%dma_wait3A_103 : memref<128x128xf32, #tpu.memory_space<vmem_shared>>)
      tpu.yield
    }) : () -> ()
    %add3A_16 = arith.constant 512 : i32
    %add3A_17 = arith.addi %mul3A_7, %add3A_16 : i32
    "tpu.region"() ({
      %run_scoped3A_86 = tpu.sem_alloc : memref<!tpu.dma_semaphore, #tpu.memory_space<semaphore_mem>>
      %dma_start3A_87 = arith.constant 0 : i32
      %dma_start3A_88 = arith.constant 0 : i32
      %dma_start3A_89 = tpu.memref_slice %arg8[%dma_start3A_87, %dma_start3A_88] : memref<128x128xf32, #tpu.memory_space<vmem>> -> memref<120x128xf32, #tpu.memory_space<vmem>>
      %dma_start3A_90 = arith.constant 0 : i32
      %dma_start3A_91 = tpu.memref_slice %arg10[%add3A_17, %dma_start3A_90] : memref<10112x128xf32, #tpu.memory_space<vmem_shared>> -> memref<120x128xf32, #tpu.memory_space<vmem_shared>>
      %dma_start3A_92 = arith.constant 0 : i32
      %dma_start3A_93 = tpu.memref_slice %arg10[%add3A_17, %dma_start3A_92] : memref<10112x128xf32, #tpu.memory_space<vmem_shared>> -> memref<120x128xf32, #tpu.memory_space<vmem_shared>>
      %dma_start3A_94 = arith.constant 0 : i32
      %dma_start3A_95 = arith.constant 0 : i32
      %dma_start3A_96 = tpu.memref_slice %arg8[%dma_start3A_94, %dma_start3A_95] : memref<128x128xf32, #tpu.memory_space<vmem>> -> memref<120x128xf32, #tpu.memory_space<vmem>>
      tpu.enqueue_dma source(%dma_start3A_96 : memref<120x128xf32, #tpu.memory_space<vmem>>) target(%dma_start3A_93 : memref<120x128xf32, #tpu.memory_space<vmem_shared>>) target_semaphore(%run_scoped3A_86 : memref<!tpu.dma_semaphore, #tpu.memory_space<semaphore_mem>>)
      %dma_wait3A_97 = arith.constant 0 : i32
      %dma_wait3A_98 = arith.constant 0 : i32
      %dma_wait3A_99 = tpu.memref_slice %arg8[%dma_wait3A_97, %dma_wait3A_98] : memref<128x128xf32, #tpu.memory_space<vmem>> -> memref<120x128xf32, #tpu.memory_space<vmem>>
      %dma_wait3A_100 = arith.constant 0 : i32
      %dma_wait3A_101 = tpu.memref_slice %arg10[%add3A_17, %dma_wait3A_100] : memref<10112x128xf32, #tpu.memory_space<vmem_shared>> -> memref<120x128xf32, #tpu.memory_space<vmem_shared>>
      %dma_wait3A_102 = arith.constant 0 : i32
      %dma_wait3A_103 = tpu.memref_slice %arg10[%add3A_17, %dma_wait3A_102] : memref<10112x128xf32, #tpu.memory_space<vmem_shared>> -> memref<120x128xf32, #tpu.memory_space<vmem_shared>>
      %dma_wait3A_104 = arith.constant 0 : i32
      %dma_wait3A_105 = arith.constant 0 : i32
      %dma_wait3A_106 = tpu.memref_slice %arg8[%dma_wait3A_104, %dma_wait3A_105] : memref<128x128xf32, #tpu.memory_space<vmem>> -> memref<120x128xf32, #tpu.memory_space<vmem>>
      tpu.wait_dma2 semaphore(%run_scoped3A_86 : memref<!tpu.dma_semaphore, #tpu.memory_space<semaphore_mem>>) src(%dma_wait3A_106 : memref<120x128xf32, #tpu.memory_space<vmem>>) dst(%dma_wait3A_103 : memref<120x128xf32, #tpu.memory_space<vmem_shared>>)
      tpu.yield
    }) : () -> ()
    %run_scoped3A = arith.constant 0 : i32
    "tpu.region"() ({
      %run_scoped3A_86 = tpu.sem_alloc : memref<!tpu.dma_semaphore, #tpu.memory_space<semaphore_mem>>
      %dma_start3A_87 = arith.constant 0 : i32
      %dma_start3A_88 = arith.constant 0 : i32
      %dma_start3A_89 = tpu.memref_slice %arg3[%add3A, %run_scoped3A, %dma_start3A_87, %dma_start3A_88] : memref<32x2x42x128xi32, #tpu.memory_space<hbm>> -> memref<1x1x42x128xi32, #tpu.memory_space<hbm>>
      %dma_start3A_90 = tpu.memref_squeeze %dma_start3A_89 : memref<1x1x42x128xi32, #tpu.memory_space<hbm>> -> memref<42x128xi32, #tpu.memory_space<hbm>>
      %dma_start3A_91 = arith.constant 0 : i32
      %dma_start3A_92 = arith.constant 0 : i32
      %dma_start3A_93 = tpu.memref_slice %arg3[%add3A, %run_scoped3A, %dma_start3A_91, %dma_start3A_92] : memref<32x2x42x128xi32, #tpu.memory_space<hbm>> -> memref<1x1x42x128xi32, #tpu.memory_space<hbm>>
      %dma_start3A_94 = tpu.memref_squeeze %dma_start3A_93 : memref<1x1x42x128xi32, #tpu.memory_space<hbm>> -> memref<42x128xi32, #tpu.memory_space<hbm>>
      tpu.enqueue_dma source(%dma_start3A_94 : memref<42x128xi32, #tpu.memory_space<hbm>>) target(%arg6 : memref<42x128xi32, #tpu.memory_space<vmem>>) target_semaphore(%run_scoped3A_86 : memref<!tpu.dma_semaphore, #tpu.memory_space<semaphore_mem>>)
      %dma_wait3A_95 = arith.constant 0 : i32
      %dma_wait3A_96 = arith.constant 0 : i32
      %dma_wait3A_97 = tpu.memref_slice %arg3[%add3A, %run_scoped3A, %dma_wait3A_95, %dma_wait3A_96] : memref<32x2x42x128xi32, #tpu.memory_space<hbm>> -> memref<1x1x42x128xi32, #tpu.memory_space<hbm>>
      %dma_wait3A_98 = tpu.memref_squeeze %dma_wait3A_97 : memref<1x1x42x128xi32, #tpu.memory_space<hbm>> -> memref<42x128xi32, #tpu.memory_space<hbm>>
      %dma_wait3A_99 = arith.constant 0 : i32
      %dma_wait3A_100 = arith.constant 0 : i32
      %dma_wait3A_101 = tpu.memref_slice %arg3[%add3A, %run_scoped3A, %dma_wait3A_99, %dma_wait3A_100] : memref<32x2x42x128xi32, #tpu.memory_space<hbm>> -> memref<1x1x42x128xi32, #tpu.memory_space<hbm>>
      %dma_wait3A_102 = tpu.memref_squeeze %dma_wait3A_101 : memref<1x1x42x128xi32, #tpu.memory_space<hbm>> -> memref<42x128xi32, #tpu.memory_space<hbm>>
      tpu.wait_dma2 semaphore(%run_scoped3A_86 : memref<!tpu.dma_semaphore, #tpu.memory_space<semaphore_mem>>) src(%dma_wait3A_102 : memref<42x128xi32, #tpu.memory_space<hbm>>) dst(%arg6 : memref<42x128xi32, #tpu.memory_space<vmem>>)
      tpu.yield
    }) : () -> ()
    %run_scoped3A_18 = arith.constant 0 : i32
    "tpu.region"() ({
      %run_scoped3A_86 = tpu.sem_alloc : memref<!tpu.dma_semaphore, #tpu.memory_space<semaphore_mem>>
      %dma_start3A_87 = arith.constant 0 : i32
      %dma_start3A_88 = arith.constant 0 : i32
      %dma_start3A_89 = tpu.memref_slice %arg4[%add3A, %run_scoped3A_18, %dma_start3A_87, %dma_start3A_88] : memref<32x2x40x128xi32, #tpu.memory_space<hbm>> -> memref<1x1x40x128xi32, #tpu.memory_space<hbm>>
      %dma_start3A_90 = tpu.memref_squeeze %dma_start3A_89 : memref<1x1x40x128xi32, #tpu.memory_space<hbm>> -> memref<40x128xi32, #tpu.memory_space<hbm>>
      %dma_start3A_91 = arith.constant 0 : i32
      %dma_start3A_92 = arith.constant 0 : i32
      %dma_start3A_93 = tpu.memref_slice %arg4[%add3A, %run_scoped3A_18, %dma_start3A_91, %dma_start3A_92] : memref<32x2x40x128xi32, #tpu.memory_space<hbm>> -> memref<1x1x40x128xi32, #tpu.memory_space<hbm>>
      %dma_start3A_94 = tpu.memref_squeeze %dma_start3A_93 : memref<1x1x40x128xi32, #tpu.memory_space<hbm>> -> memref<40x128xi32, #tpu.memory_space<hbm>>
      tpu.enqueue_dma source(%dma_start3A_94 : memref<40x128xi32, #tpu.memory_space<hbm>>) target(%arg7 : memref<40x128xi32, #tpu.memory_space<vmem>>) target_semaphore(%run_scoped3A_86 : memref<!tpu.dma_semaphore, #tpu.memory_space<semaphore_mem>>)
      %dma_wait3A_95 = arith.constant 0 : i32
      %dma_wait3A_96 = arith.constant 0 : i32
      %dma_wait3A_97 = tpu.memref_slice %arg4[%add3A, %run_scoped3A_18, %dma_wait3A_95, %dma_wait3A_96] : memref<32x2x40x128xi32, #tpu.memory_space<hbm>> -> memref<1x1x40x128xi32, #tpu.memory_space<hbm>>
      %dma_wait3A_98 = tpu.memref_squeeze %dma_wait3A_97 : memref<1x1x40x128xi32, #tpu.memory_space<hbm>> -> memref<40x128xi32, #tpu.memory_space<hbm>>
      %dma_wait3A_99 = arith.constant 0 : i32
      %dma_wait3A_100 = arith.constant 0 : i32
      %dma_wait3A_101 = tpu.memref_slice %arg4[%add3A, %run_scoped3A_18, %dma_wait3A_99, %dma_wait3A_100] : memref<32x2x40x128xi32, #tpu.memory_space<hbm>> -> memref<1x1x40x128xi32, #tpu.memory_space<hbm>>
      %dma_wait3A_102 = tpu.memref_squeeze %dma_wait3A_101 : memref<1x1x40x128xi32, #tpu.memory_space<hbm>> -> memref<40x128xi32, #tpu.memory_space<hbm>>
      tpu.wait_dma2 semaphore(%run_scoped3A_86 : memref<!tpu.dma_semaphore, #tpu.memory_space<semaphore_mem>>) src(%dma_wait3A_102 : memref<40x128xi32, #tpu.memory_space<hbm>>) dst(%arg7 : memref<40x128xi32, #tpu.memory_space<vmem>>)
      tpu.yield
    }) : () -> ()
    %dma_start3A = arith.constant 0 : i32
    %dma_start3A_19 = arith.constant 0 : i32
    %dma_start3A_20 = tpu.memref_slice %arg6[%dma_start3A, %dma_start3A_19] : memref<42x128xi32, #tpu.memory_space<vmem>> -> memref<1x128xi32, #tpu.memory_space<vmem>>
    %dma_start3A_21 = tpu.memref_squeeze %dma_start3A_20 : memref<1x128xi32, #tpu.memory_space<vmem>> -> memref<128xi32, #tpu.memory_space<vmem>>
    %dma_start3A_22 = arith.constant 0 : i32
    %dma_start3A_23 = arith.constant 0 : i32
    %dma_start3A_24 = tpu.memref_slice %arg2[%dma_start3A_22, %dma_start3A_23] : memref<10000x128xf32, #tpu.memory_space<hbm>> -> memref<10000x128xf32, #tpu.memory_space<hbm>>
    tpu.enqueue_indirect_dma source(%dma_start3A_24 : memref<10000x128xf32, #tpu.memory_space<hbm>>) target(%arg8 : memref<128x128xf32, #tpu.memory_space<vmem>>) offsets(%dma_start3A_21 : memref<128xi32, #tpu.memory_space<vmem>>) semaphore(%arg11 : memref<!tpu.dma_semaphore, #tpu.memory_space<semaphore_mem>>)
    %dma_start3A_25 = arith.constant 1 : i32
    %dma_start3A_26 = arith.constant 0 : i32
    %dma_start3A_27 = tpu.memref_slice %arg6[%dma_start3A_25, %dma_start3A_26] : memref<42x128xi32, #tpu.memory_space<vmem>> -> memref<1x128xi32, #tpu.memory_space<vmem>>
    %dma_start3A_28 = tpu.memref_squeeze %dma_start3A_27 : memref<1x128xi32, #tpu.memory_space<vmem>> -> memref<128xi32, #tpu.memory_space<vmem>>
    %dma_start3A_29 = arith.constant 0 : i32
    %dma_start3A_30 = arith.constant 0 : i32
    %dma_start3A_31 = tpu.memref_slice %arg2[%dma_start3A_29, %dma_start3A_30] : memref<10000x128xf32, #tpu.memory_space<hbm>> -> memref<10000x128xf32, #tpu.memory_space<hbm>>
    tpu.enqueue_indirect_dma source(%dma_start3A_31 : memref<10000x128xf32, #tpu.memory_space<hbm>>) target(%arg9 : memref<128x128xf32, #tpu.memory_space<vmem>>) offsets(%dma_start3A_28 : memref<128xi32, #tpu.memory_space<vmem>>) semaphore(%arg12 : memref<!tpu.dma_semaphore, #tpu.memory_space<semaphore_mem>>)
    %barrier3A = arith.constant 0 : index
    tpu.barrier barrier_id(%barrier3A)
    %scan3A_32 = arith.constant 0 : i32
    %scan3A_33 = arith.constant 20 : i32
    %scan3A_34 = arith.addi %scan3A_32, %scan3A_33 : i32
    %scan3A_35 = arith.constant 1 : i32
    scf.for %scan3A_86 = %scan3A_32 to %scan3A_34 step %scan3A_35  : i32 {
      %mul3A_87 = arith.constant 2 : i32
      %mul3A_88 = arith.muli %scan3A_86, %mul3A_87 : i32
      %add3A_89 = arith.constant 0 : i32
      %add3A_90 = arith.addi %add3A_89, %mul3A_88 : i32
      %dma_wait3A_91 = arith.constant 0 : i32
      %dma_wait3A_92 = tpu.memref_slice %arg6[%add3A_90, %dma_wait3A_91] : memref<42x128xi32, #tpu.memory_space<vmem>> -> memref<1x128xi32, #tpu.memory_space<vmem>>
      %dma_wait3A_93 = tpu.memref_squeeze %dma_wait3A_92 : memref<1x128xi32, #tpu.memory_space<vmem>> -> memref<128xi32, #tpu.memory_space<vmem>>
      %dma_wait3A_94 = arith.constant 0 : i32
      %dma_wait3A_95 = arith.constant 0 : i32
      %dma_wait3A_96 = tpu.memref_slice %arg2[%dma_wait3A_94, %dma_wait3A_95] : memref<10000x128xf32, #tpu.memory_space<hbm>> -> memref<10000x128xf32, #tpu.memory_space<hbm>>
      tpu.wait_indirect_dma semaphore(%arg11 : memref<!tpu.dma_semaphore, #tpu.memory_space<semaphore_mem>>) src(%dma_wait3A_96 : memref<10000x128xf32, #tpu.memory_space<hbm>>) dst(%arg8 : memref<128x128xf32, #tpu.memory_space<vmem>>)
      "tpu.region"() ({
        %run_scoped3A_123 = tpu.sem_alloc : memref<!tpu.dma_semaphore, #tpu.memory_space<semaphore_mem>>
        %dma_start3A_124 = arith.constant 0 : i32
        %dma_start3A_125 = tpu.memref_slice %arg7[%add3A_90, %dma_start3A_124] : memref<40x128xi32, #tpu.memory_space<vmem>> -> memref<1x128xi32, #tpu.memory_space<vmem>>
        %dma_start3A_126 = tpu.memref_squeeze %dma_start3A_125 : memref<1x128xi32, #tpu.memory_space<vmem>> -> memref<128xi32, #tpu.memory_space<vmem>>
        %dma_start3A_127 = arith.constant 0 : i32
        %dma_start3A_128 = arith.constant 0 : i32
        %dma_start3A_129 = tpu.memref_slice %arg10[%dma_start3A_127, %dma_start3A_128] : memref<10112x128xf32, #tpu.memory_space<vmem_shared>> -> memref<10112x128xf32, #tpu.memory_space<vmem_shared>>
        tpu.enqueue_indirect_dma source(%arg8 : memref<128x128xf32, #tpu.memory_space<vmem>>) target(%dma_start3A_129 : memref<10112x128xf32, #tpu.memory_space<vmem_shared>>) offsets(%dma_start3A_126 : memref<128xi32, #tpu.memory_space<vmem>>) semaphore(%run_scoped3A_123 : memref<!tpu.dma_semaphore, #tpu.memory_space<semaphore_mem>>) {add = true}
        %dma_wait3A_130 = arith.constant 0 : i32
        %dma_wait3A_131 = tpu.memref_slice %arg7[%add3A_90, %dma_wait3A_130] : memref<40x128xi32, #tpu.memory_space<vmem>> -> memref<1x128xi32, #tpu.memory_space<vmem>>
        %dma_wait3A_132 = tpu.memref_squeeze %dma_wait3A_131 : memref<1x128xi32, #tpu.memory_space<vmem>> -> memref<128xi32, #tpu.memory_space<vmem>>
        %dma_wait3A_133 = arith.constant 0 : i32
        %dma_wait3A_134 = arith.constant 0 : i32
        %dma_wait3A_135 = tpu.memref_slice %arg10[%dma_wait3A_133, %dma_wait3A_134] : memref<10112x128xf32, #tpu.memory_space<vmem_shared>> -> memref<10112x128xf32, #tpu.memory_space<vmem_shared>>
        tpu.wait_indirect_dma semaphore(%run_scoped3A_123 : memref<!tpu.dma_semaphore, #tpu.memory_space<semaphore_mem>>) src(%arg8 : memref<128x128xf32, #tpu.memory_space<vmem>>) dst(%dma_wait3A_135 : memref<10112x128xf32, #tpu.memory_space<vmem_shared>>)
        tpu.yield
      }) : () -> ()
      %add3A_97 = arith.constant 2 : i32
      %add3A_98 = arith.addi %add3A_90, %add3A_97 : i32
      %dma_start3A_99 = arith.constant 0 : i32
      %dma_start3A_100 = tpu.memref_slice %arg6[%add3A_98, %dma_start3A_99] : memref<42x128xi32, #tpu.memory_space<vmem>> -> memref<1x128xi32, #tpu.memory_space<vmem>>
      %dma_start3A_101 = tpu.memref_squeeze %dma_start3A_100 : memref<1x128xi32, #tpu.memory_space<vmem>> -> memref<128xi32, #tpu.memory_space<vmem>>
      %dma_start3A_102 = arith.constant 0 : i32
      %dma_start3A_103 = arith.constant 0 : i32
      %dma_start3A_104 = tpu.memref_slice %arg2[%dma_start3A_102, %dma_start3A_103] : memref<10000x128xf32, #tpu.memory_space<hbm>> -> memref<10000x128xf32, #tpu.memory_space<hbm>>
      tpu.enqueue_indirect_dma source(%dma_start3A_104 : memref<10000x128xf32, #tpu.memory_space<hbm>>) target(%arg8 : memref<128x128xf32, #tpu.memory_space<vmem>>) offsets(%dma_start3A_101 : memref<128xi32, #tpu.memory_space<vmem>>) semaphore(%arg11 : memref<!tpu.dma_semaphore, #tpu.memory_space<semaphore_mem>>)
      %add3A_105 = arith.constant 1 : i32
      %add3A_106 = arith.addi %add3A_90, %add3A_105 : i32
      %dma_wait3A_107 = arith.constant 0 : i32
      %dma_wait3A_108 = tpu.memref_slice %arg6[%add3A_106, %dma_wait3A_107] : memref<42x128xi32, #tpu.memory_space<vmem>> -> memref<1x128xi32, #tpu.memory_space<vmem>>
      %dma_wait3A_109 = tpu.memref_squeeze %dma_wait3A_108 : memref<1x128xi32, #tpu.memory_space<vmem>> -> memref<128xi32, #tpu.memory_space<vmem>>
      %dma_wait3A_110 = arith.constant 0 : i32
      %dma_wait3A_111 = arith.constant 0 : i32
      %dma_wait3A_112 = tpu.memref_slice %arg2[%dma_wait3A_110, %dma_wait3A_111] : memref<10000x128xf32, #tpu.memory_space<hbm>> -> memref<10000x128xf32, #tpu.memory_space<hbm>>
      tpu.wait_indirect_dma semaphore(%arg12 : memref<!tpu.dma_semaphore, #tpu.memory_space<semaphore_mem>>) src(%dma_wait3A_112 : memref<10000x128xf32, #tpu.memory_space<hbm>>) dst(%arg9 : memref<128x128xf32, #tpu.memory_space<vmem>>)
      %add3A_113 = arith.constant 1 : i32
      %add3A_114 = arith.addi %add3A_90, %add3A_113 : i32
      "tpu.region"() ({
        %run_scoped3A_123 = tpu.sem_alloc : memref<!tpu.dma_semaphore, #tpu.memory_space<semaphore_mem>>
        %dma_start3A_124 = arith.constant 0 : i32
        %dma_start3A_125 = tpu.memref_slice %arg7[%add3A_114, %dma_start3A_124] : memref<40x128xi32, #tpu.memory_space<vmem>> -> memref<1x128xi32, #tpu.memory_space<vmem>>
        %dma_start3A_126 = tpu.memref_squeeze %dma_start3A_125 : memref<1x128xi32, #tpu.memory_space<vmem>> -> memref<128xi32, #tpu.memory_space<vmem>>
        %dma_start3A_127 = arith.constant 0 : i32
        %dma_start3A_128 = arith.constant 0 : i32
        %dma_start3A_129 = tpu.memref_slice %arg10[%dma_start3A_127, %dma_start3A_128] : memref<10112x128xf32, #tpu.memory_space<vmem_shared>> -> memref<10112x128xf32, #tpu.memory_space<vmem_shared>>
        tpu.enqueue_indirect_dma source(%arg9 : memref<128x128xf32, #tpu.memory_space<vmem>>) target(%dma_start3A_129 : memref<10112x128xf32, #tpu.memory_space<vmem_shared>>) offsets(%dma_start3A_126 : memref<128xi32, #tpu.memory_space<vmem>>) semaphore(%run_scoped3A_123 : memref<!tpu.dma_semaphore, #tpu.memory_space<semaphore_mem>>) {add = true}
        %dma_wait3A_130 = arith.constant 0 : i32
        %dma_wait3A_131 = tpu.memref_slice %arg7[%add3A_114, %dma_wait3A_130] : memref<40x128xi32, #tpu.memory_space<vmem>> -> memref<1x128xi32, #tpu.memory_space<vmem>>
        %dma_wait3A_132 = tpu.memref_squeeze %dma_wait3A_131 : memref<1x128xi32, #tpu.memory_space<vmem>> -> memref<128xi32, #tpu.memory_space<vmem>>
        %dma_wait3A_133 = arith.constant 0 : i32
        %dma_wait3A_134 = arith.constant 0 : i32
        %dma_wait3A_135 = tpu.memref_slice %arg10[%dma_wait3A_133, %dma_wait3A_134] : memref<10112x128xf32, #tpu.memory_space<vmem_shared>> -> memref<10112x128xf32, #tpu.memory_space<vmem_shared>>
        tpu.wait_indirect_dma semaphore(%run_scoped3A_123 : memref<!tpu.dma_semaphore, #tpu.memory_space<semaphore_mem>>) src(%arg9 : memref<128x128xf32, #tpu.memory_space<vmem>>) dst(%dma_wait3A_135 : memref<10112x128xf32, #tpu.memory_space<vmem_shared>>)
        tpu.yield
      }) : () -> ()
      %add3A_115 = arith.constant 3 : i32
      %add3A_116 = arith.addi %add3A_90, %add3A_115 : i32
      %dma_start3A_117 = arith.constant 0 : i32
      %dma_start3A_118 = tpu.memref_slice %arg6[%add3A_116, %dma_start3A_117] : memref<42x128xi32, #tpu.memory_space<vmem>> -> memref<1x128xi32, #tpu.memory_space<vmem>>
      %dma_start3A_119 = tpu.memref_squeeze %dma_start3A_118 : memref<1x128xi32, #tpu.memory_space<vmem>> -> memref<128xi32, #tpu.memory_space<vmem>>
      %dma_start3A_120 = arith.constant 0 : i32
      %dma_start3A_121 = arith.constant 0 : i32
      %dma_start3A_122 = tpu.memref_slice %arg2[%dma_start3A_120, %dma_start3A_121] : memref<10000x128xf32, #tpu.memory_space<hbm>> -> memref<10000x128xf32, #tpu.memory_space<hbm>>
      tpu.enqueue_indirect_dma source(%dma_start3A_122 : memref<10000x128xf32, #tpu.memory_space<hbm>>) target(%arg9 : memref<128x128xf32, #tpu.memory_space<vmem>>) offsets(%dma_start3A_119 : memref<128xi32, #tpu.memory_space<vmem>>) semaphore(%arg12 : memref<!tpu.dma_semaphore, #tpu.memory_space<semaphore_mem>>)
    }
    %scan3A_36 = arith.constant 20 : i32
    %dma_wait3A = arith.constant 0 : i32
    %dma_wait3A_37 = arith.constant 0 : i32
    %dma_wait3A_38 = tpu.memref_slice %arg6[%dma_wait3A, %dma_wait3A_37] : memref<42x128xi32, #tpu.memory_space<vmem>> -> memref<1x128xi32, #tpu.memory_space<vmem>>
    %dma_wait3A_39 = tpu.memref_squeeze %dma_wait3A_38 : memref<1x128xi32, #tpu.memory_space<vmem>> -> memref<128xi32, #tpu.memory_space<vmem>>
    %dma_wait3A_40 = arith.constant 0 : i32
    %dma_wait3A_41 = arith.constant 0 : i32
    %dma_wait3A_42 = tpu.memref_slice %arg2[%dma_wait3A_40, %dma_wait3A_41] : memref<10000x128xf32, #tpu.memory_space<hbm>> -> memref<10000x128xf32, #tpu.memory_space<hbm>>
    tpu.wait_indirect_dma semaphore(%arg11 : memref<!tpu.dma_semaphore, #tpu.memory_space<semaphore_mem>>) src(%dma_wait3A_42 : memref<10000x128xf32, #tpu.memory_space<hbm>>) dst(%arg8 : memref<128x128xf32, #tpu.memory_space<vmem>>)
    %dma_wait3A_43 = arith.constant 1 : i32
    %dma_wait3A_44 = arith.constant 0 : i32
    %dma_wait3A_45 = tpu.memref_slice %arg6[%dma_wait3A_43, %dma_wait3A_44] : memref<42x128xi32, #tpu.memory_space<vmem>> -> memref<1x128xi32, #tpu.memory_space<vmem>>
    %dma_wait3A_46 = tpu.memref_squeeze %dma_wait3A_45 : memref<1x128xi32, #tpu.memory_space<vmem>> -> memref<128xi32, #tpu.memory_space<vmem>>
    %dma_wait3A_47 = arith.constant 0 : i32
    %dma_wait3A_48 = arith.constant 0 : i32
    %dma_wait3A_49 = tpu.memref_slice %arg2[%dma_wait3A_47, %dma_wait3A_48] : memref<10000x128xf32, #tpu.memory_space<hbm>> -> memref<10000x128xf32, #tpu.memory_space<hbm>>
    tpu.wait_indirect_dma semaphore(%arg12 : memref<!tpu.dma_semaphore, #tpu.memory_space<semaphore_mem>>) src(%dma_wait3A_49 : memref<10000x128xf32, #tpu.memory_space<hbm>>) dst(%arg9 : memref<128x128xf32, #tpu.memory_space<vmem>>)
    %run_scoped3A_50 = arith.constant 1 : i32
    "tpu.region"() ({
      %run_scoped3A_86 = tpu.sem_alloc : memref<!tpu.dma_semaphore, #tpu.memory_space<semaphore_mem>>
      %dma_start3A_87 = arith.constant 0 : i32
      %dma_start3A_88 = arith.constant 0 : i32
      %dma_start3A_89 = tpu.memref_slice %arg3[%add3A, %run_scoped3A_50, %dma_start3A_87, %dma_start3A_88] : memref<32x2x42x128xi32, #tpu.memory_space<hbm>> -> memref<1x1x42x128xi32, #tpu.memory_space<hbm>>
      %dma_start3A_90 = tpu.memref_squeeze %dma_start3A_89 : memref<1x1x42x128xi32, #tpu.memory_space<hbm>> -> memref<42x128xi32, #tpu.memory_space<hbm>>
      %dma_start3A_91 = arith.constant 0 : i32
      %dma_start3A_92 = arith.constant 0 : i32
      %dma_start3A_93 = tpu.memref_slice %arg3[%add3A, %run_scoped3A_50, %dma_start3A_91, %dma_start3A_92] : memref<32x2x42x128xi32, #tpu.memory_space<hbm>> -> memref<1x1x42x128xi32, #tpu.memory_space<hbm>>
      %dma_start3A_94 = tpu.memref_squeeze %dma_start3A_93 : memref<1x1x42x128xi32, #tpu.memory_space<hbm>> -> memref<42x128xi32, #tpu.memory_space<hbm>>
      tpu.enqueue_dma source(%dma_start3A_94 : memref<42x128xi32, #tpu.memory_space<hbm>>) target(%arg6 : memref<42x128xi32, #tpu.memory_space<vmem>>) target_semaphore(%run_scoped3A_86 : memref<!tpu.dma_semaphore, #tpu.memory_space<semaphore_mem>>)
      %dma_wait3A_95 = arith.constant 0 : i32
      %dma_wait3A_96 = arith.constant 0 : i32
      %dma_wait3A_97 = tpu.memref_slice %arg3[%add3A, %run_scoped3A_50, %dma_wait3A_95, %dma_wait3A_96] : memref<32x2x42x128xi32, #tpu.memory_space<hbm>> -> memref<1x1x42x128xi32, #tpu.memory_space<hbm>>
      %dma_wait3A_98 = tpu.memref_squeeze %dma_wait3A_97 : memref<1x1x42x128xi32, #tpu.memory_space<hbm>> -> memref<42x128xi32, #tpu.memory_space<hbm>>
      %dma_wait3A_99 = arith.constant 0 : i32
      %dma_wait3A_100 = arith.constant 0 : i32
      %dma_wait3A_101 = tpu.memref_slice %arg3[%add3A, %run_scoped3A_50, %dma_wait3A_99, %dma_wait3A_100] : memref<32x2x42x128xi32, #tpu.memory_space<hbm>> -> memref<1x1x42x128xi32, #tpu.memory_space<hbm>>
      %dma_wait3A_102 = tpu.memref_squeeze %dma_wait3A_101 : memref<1x1x42x128xi32, #tpu.memory_space<hbm>> -> memref<42x128xi32, #tpu.memory_space<hbm>>
      tpu.wait_dma2 semaphore(%run_scoped3A_86 : memref<!tpu.dma_semaphore, #tpu.memory_space<semaphore_mem>>) src(%dma_wait3A_102 : memref<42x128xi32, #tpu.memory_space<hbm>>) dst(%arg6 : memref<42x128xi32, #tpu.memory_space<vmem>>)
      tpu.yield
    }) : () -> ()
    %run_scoped3A_51 = arith.constant 1 : i32
    "tpu.region"() ({
      %run_scoped3A_86 = tpu.sem_alloc : memref<!tpu.dma_semaphore, #tpu.memory_space<semaphore_mem>>
      %dma_start3A_87 = arith.constant 0 : i32
      %dma_start3A_88 = arith.constant 0 : i32
      %dma_start3A_89 = tpu.memref_slice %arg4[%add3A, %run_scoped3A_51, %dma_start3A_87, %dma_start3A_88] : memref<32x2x40x128xi32, #tpu.memory_space<hbm>> -> memref<1x1x40x128xi32, #tpu.memory_space<hbm>>
      %dma_start3A_90 = tpu.memref_squeeze %dma_start3A_89 : memref<1x1x40x128xi32, #tpu.memory_space<hbm>> -> memref<40x128xi32, #tpu.memory_space<hbm>>
      %dma_start3A_91 = arith.constant 0 : i32
      %dma_start3A_92 = arith.constant 0 : i32
      %dma_start3A_93 = tpu.memref_slice %arg4[%add3A, %run_scoped3A_51, %dma_start3A_91, %dma_start3A_92] : memref<32x2x40x128xi32, #tpu.memory_space<hbm>> -> memref<1x1x40x128xi32, #tpu.memory_space<hbm>>
      %dma_start3A_94 = tpu.memref_squeeze %dma_start3A_93 : memref<1x1x40x128xi32, #tpu.memory_space<hbm>> -> memref<40x128xi32, #tpu.memory_space<hbm>>
      tpu.enqueue_dma source(%dma_start3A_94 : memref<40x128xi32, #tpu.memory_space<hbm>>) target(%arg7 : memref<40x128xi32, #tpu.memory_space<vmem>>) target_semaphore(%run_scoped3A_86 : memref<!tpu.dma_semaphore, #tpu.memory_space<semaphore_mem>>)
      %dma_wait3A_95 = arith.constant 0 : i32
      %dma_wait3A_96 = arith.constant 0 : i32
      %dma_wait3A_97 = tpu.memref_slice %arg4[%add3A, %run_scoped3A_51, %dma_wait3A_95, %dma_wait3A_96] : memref<32x2x40x128xi32, #tpu.memory_space<hbm>> -> memref<1x1x40x128xi32, #tpu.memory_space<hbm>>
      %dma_wait3A_98 = tpu.memref_squeeze %dma_wait3A_97 : memref<1x1x40x128xi32, #tpu.memory_space<hbm>> -> memref<40x128xi32, #tpu.memory_space<hbm>>
      %dma_wait3A_99 = arith.constant 0 : i32
      %dma_wait3A_100 = arith.constant 0 : i32
      %dma_wait3A_101 = tpu.memref_slice %arg4[%add3A, %run_scoped3A_51, %dma_wait3A_99, %dma_wait3A_100] : memref<32x2x40x128xi32, #tpu.memory_space<hbm>> -> memref<1x1x40x128xi32, #tpu.memory_space<hbm>>
      %dma_wait3A_102 = tpu.memref_squeeze %dma_wait3A_101 : memref<1x1x40x128xi32, #tpu.memory_space<hbm>> -> memref<40x128xi32, #tpu.memory_space<hbm>>
      tpu.wait_dma2 semaphore(%run_scoped3A_86 : memref<!tpu.dma_semaphore, #tpu.memory_space<semaphore_mem>>) src(%dma_wait3A_102 : memref<40x128xi32, #tpu.memory_space<hbm>>) dst(%arg7 : memref<40x128xi32, #tpu.memory_space<vmem>>)
      tpu.yield
    }) : () -> ()
    %dma_start3A_52 = arith.constant 0 : i32
    %dma_start3A_53 = arith.constant 0 : i32
    %dma_start3A_54 = tpu.memref_slice %arg6[%dma_start3A_52, %dma_start3A_53] : memref<42x128xi32, #tpu.memory_space<vmem>> -> memref<1x128xi32, #tpu.memory_space<vmem>>
    %dma_start3A_55 = tpu.memref_squeeze %dma_start3A_54 : memref<1x128xi32, #tpu.memory_space<vmem>> -> memref<128xi32, #tpu.memory_space<vmem>>
    %dma_start3A_56 = arith.constant 0 : i32
    %dma_start3A_57 = arith.constant 0 : i32
    %dma_start3A_58 = tpu.memref_slice %arg2[%dma_start3A_56, %dma_start3A_57] : memref<10000x128xf32, #tpu.memory_space<hbm>> -> memref<10000x128xf32, #tpu.memory_space<hbm>>
    tpu.enqueue_indirect_dma source(%dma_start3A_58 : memref<10000x128xf32, #tpu.memory_space<hbm>>) target(%arg8 : memref<128x128xf32, #tpu.memory_space<vmem>>) offsets(%dma_start3A_55 : memref<128xi32, #tpu.memory_space<vmem>>) semaphore(%arg11 : memref<!tpu.dma_semaphore, #tpu.memory_space<semaphore_mem>>)
    %dma_start3A_59 = arith.constant 1 : i32
    %dma_start3A_60 = arith.constant 0 : i32
    %dma_start3A_61 = tpu.memref_slice %arg6[%dma_start3A_59, %dma_start3A_60] : memref<42x128xi32, #tpu.memory_space<vmem>> -> memref<1x128xi32, #tpu.memory_space<vmem>>
    %dma_start3A_62 = tpu.memref_squeeze %dma_start3A_61 : memref<1x128xi32, #tpu.memory_space<vmem>> -> memref<128xi32, #tpu.memory_space<vmem>>
    %dma_start3A_63 = arith.constant 0 : i32
    %dma_start3A_64 = arith.constant 0 : i32
    %dma_start3A_65 = tpu.memref_slice %arg2[%dma_start3A_63, %dma_start3A_64] : memref<10000x128xf32, #tpu.memory_space<hbm>> -> memref<10000x128xf32, #tpu.memory_space<hbm>>
    tpu.enqueue_indirect_dma source(%dma_start3A_65 : memref<10000x128xf32, #tpu.memory_space<hbm>>) target(%arg9 : memref<128x128xf32, #tpu.memory_space<vmem>>) offsets(%dma_start3A_62 : memref<128xi32, #tpu.memory_space<vmem>>) semaphore(%arg12 : memref<!tpu.dma_semaphore, #tpu.memory_space<semaphore_mem>>)
    %scan3A_66 = arith.constant 0 : i32
    %scan3A_67 = arith.constant 20 : i32
    %scan3A_68 = arith.addi %scan3A_66, %scan3A_67 : i32
    %scan3A_69 = arith.constant 1 : i32
    scf.for %scan3A_86 = %scan3A_66 to %scan3A_68 step %scan3A_69  : i32 {
      %mul3A_87 = arith.constant 2 : i32
      %mul3A_88 = arith.muli %scan3A_86, %mul3A_87 : i32
      %add3A_89 = arith.constant 0 : i32
      %add3A_90 = arith.addi %add3A_89, %mul3A_88 : i32
      %dma_wait3A_91 = arith.constant 0 : i32
      %dma_wait3A_92 = tpu.memref_slice %arg6[%add3A_90, %dma_wait3A_91] : memref<42x128xi32, #tpu.memory_space<vmem>> -> memref<1x128xi32, #tpu.memory_space<vmem>>
      %dma_wait3A_93 = tpu.memref_squeeze %dma_wait3A_92 : memref<1x128xi32, #tpu.memory_space<vmem>> -> memref<128xi32, #tpu.memory_space<vmem>>
      %dma_wait3A_94 = arith.constant 0 : i32
      %dma_wait3A_95 = arith.constant 0 : i32
      %dma_wait3A_96 = tpu.memref_slice %arg2[%dma_wait3A_94, %dma_wait3A_95] : memref<10000x128xf32, #tpu.memory_space<hbm>> -> memref<10000x128xf32, #tpu.memory_space<hbm>>
      tpu.wait_indirect_dma semaphore(%arg11 : memref<!tpu.dma_semaphore, #tpu.memory_space<semaphore_mem>>) src(%dma_wait3A_96 : memref<10000x128xf32, #tpu.memory_space<hbm>>) dst(%arg8 : memref<128x128xf32, #tpu.memory_space<vmem>>)
      "tpu.region"() ({
        %run_scoped3A_123 = tpu.sem_alloc : memref<!tpu.dma_semaphore, #tpu.memory_space<semaphore_mem>>
        %dma_start3A_124 = arith.constant 0 : i32
        %dma_start3A_125 = tpu.memref_slice %arg7[%add3A_90, %dma_start3A_124] : memref<40x128xi32, #tpu.memory_space<vmem>> -> memref<1x128xi32, #tpu.memory_space<vmem>>
        %dma_start3A_126 = tpu.memref_squeeze %dma_start3A_125 : memref<1x128xi32, #tpu.memory_space<vmem>> -> memref<128xi32, #tpu.memory_space<vmem>>
        %dma_start3A_127 = arith.constant 0 : i32
        %dma_start3A_128 = arith.constant 0 : i32
        %dma_start3A_129 = tpu.memref_slice %arg10[%dma_start3A_127, %dma_start3A_128] : memref<10112x128xf32, #tpu.memory_space<vmem_shared>> -> memref<10112x128xf32, #tpu.memory_space<vmem_shared>>
        tpu.enqueue_indirect_dma source(%arg8 : memref<128x128xf32, #tpu.memory_space<vmem>>) target(%dma_start3A_129 : memref<10112x128xf32, #tpu.memory_space<vmem_shared>>) offsets(%dma_start3A_126 : memref<128xi32, #tpu.memory_space<vmem>>) semaphore(%run_scoped3A_123 : memref<!tpu.dma_semaphore, #tpu.memory_space<semaphore_mem>>) {add = true}
        %dma_wait3A_130 = arith.constant 0 : i32
        %dma_wait3A_131 = tpu.memref_slice %arg7[%add3A_90, %dma_wait3A_130] : memref<40x128xi32, #tpu.memory_space<vmem>> -> memref<1x128xi32, #tpu.memory_space<vmem>>
        %dma_wait3A_132 = tpu.memref_squeeze %dma_wait3A_131 : memref<1x128xi32, #tpu.memory_space<vmem>> -> memref<128xi32, #tpu.memory_space<vmem>>
        %dma_wait3A_133 = arith.constant 0 : i32
        %dma_wait3A_134 = arith.constant 0 : i32
        %dma_wait3A_135 = tpu.memref_slice %arg10[%dma_wait3A_133, %dma_wait3A_134] : memref<10112x128xf32, #tpu.memory_space<vmem_shared>> -> memref<10112x128xf32, #tpu.memory_space<vmem_shared>>
        tpu.wait_indirect_dma semaphore(%run_scoped3A_123 : memref<!tpu.dma_semaphore, #tpu.memory_space<semaphore_mem>>) src(%arg8 : memref<128x128xf32, #tpu.memory_space<vmem>>) dst(%dma_wait3A_135 : memref<10112x128xf32, #tpu.memory_space<vmem_shared>>)
        tpu.yield
      }) : () -> ()
      %add3A_97 = arith.constant 2 : i32
      %add3A_98 = arith.addi %add3A_90, %add3A_97 : i32
      %dma_start3A_99 = arith.constant 0 : i32
      %dma_start3A_100 = tpu.memref_slice %arg6[%add3A_98, %dma_start3A_99] : memref<42x128xi32, #tpu.memory_space<vmem>> -> memref<1x128xi32, #tpu.memory_space<vmem>>
      %dma_start3A_101 = tpu.memref_squeeze %dma_start3A_100 : memref<1x128xi32, #tpu.memory_space<vmem>> -> memref<128xi32, #tpu.memory_space<vmem>>
      %dma_start3A_102 = arith.constant 0 : i32
      %dma_start3A_103 = arith.constant 0 : i32
      %dma_start3A_104 = tpu.memref_slice %arg2[%dma_start3A_102, %dma_start3A_103] : memref<10000x128xf32, #tpu.memory_space<hbm>> -> memref<10000x128xf32, #tpu.memory_space<hbm>>
      tpu.enqueue_indirect_dma source(%dma_start3A_104 : memref<10000x128xf32, #tpu.memory_space<hbm>>) target(%arg8 : memref<128x128xf32, #tpu.memory_space<vmem>>) offsets(%dma_start3A_101 : memref<128xi32, #tpu.memory_space<vmem>>) semaphore(%arg11 : memref<!tpu.dma_semaphore, #tpu.memory_space<semaphore_mem>>)
      %add3A_105 = arith.constant 1 : i32
      %add3A_106 = arith.addi %add3A_90, %add3A_105 : i32
      %dma_wait3A_107 = arith.constant 0 : i32
      %dma_wait3A_108 = tpu.memref_slice %arg6[%add3A_106, %dma_wait3A_107] : memref<42x128xi32, #tpu.memory_space<vmem>> -> memref<1x128xi32, #tpu.memory_space<vmem>>
      %dma_wait3A_109 = tpu.memref_squeeze %dma_wait3A_108 : memref<1x128xi32, #tpu.memory_space<vmem>> -> memref<128xi32, #tpu.memory_space<vmem>>
      %dma_wait3A_110 = arith.constant 0 : i32
      %dma_wait3A_111 = arith.constant 0 : i32
      %dma_wait3A_112 = tpu.memref_slice %arg2[%dma_wait3A_110, %dma_wait3A_111] : memref<10000x128xf32, #tpu.memory_space<hbm>> -> memref<10000x128xf32, #tpu.memory_space<hbm>>
      tpu.wait_indirect_dma semaphore(%arg12 : memref<!tpu.dma_semaphore, #tpu.memory_space<semaphore_mem>>) src(%dma_wait3A_112 : memref<10000x128xf32, #tpu.memory_space<hbm>>) dst(%arg9 : memref<128x128xf32, #tpu.memory_space<vmem>>)
      %add3A_113 = arith.constant 1 : i32
      %add3A_114 = arith.addi %add3A_90, %add3A_113 : i32
      "tpu.region"() ({
        %run_scoped3A_123 = tpu.sem_alloc : memref<!tpu.dma_semaphore, #tpu.memory_space<semaphore_mem>>
        %dma_start3A_124 = arith.constant 0 : i32
        %dma_start3A_125 = tpu.memref_slice %arg7[%add3A_114, %dma_start3A_124] : memref<40x128xi32, #tpu.memory_space<vmem>> -> memref<1x128xi32, #tpu.memory_space<vmem>>
        %dma_start3A_126 = tpu.memref_squeeze %dma_start3A_125 : memref<1x128xi32, #tpu.memory_space<vmem>> -> memref<128xi32, #tpu.memory_space<vmem>>
        %dma_start3A_127 = arith.constant 0 : i32
        %dma_start3A_128 = arith.constant 0 : i32
        %dma_start3A_129 = tpu.memref_slice %arg10[%dma_start3A_127, %dma_start3A_128] : memref<10112x128xf32, #tpu.memory_space<vmem_shared>> -> memref<10112x128xf32, #tpu.memory_space<vmem_shared>>
        tpu.enqueue_indirect_dma source(%arg9 : memref<128x128xf32, #tpu.memory_space<vmem>>) target(%dma_start3A_129 : memref<10112x128xf32, #tpu.memory_space<vmem_shared>>) offsets(%dma_start3A_126 : memref<128xi32, #tpu.memory_space<vmem>>) semaphore(%run_scoped3A_123 : memref<!tpu.dma_semaphore, #tpu.memory_space<semaphore_mem>>) {add = true}
        %dma_wait3A_130 = arith.constant 0 : i32
        %dma_wait3A_131 = tpu.memref_slice %arg7[%add3A_114, %dma_wait3A_130] : memref<40x128xi32, #tpu.memory_space<vmem>> -> memref<1x128xi32, #tpu.memory_space<vmem>>
        %dma_wait3A_132 = tpu.memref_squeeze %dma_wait3A_131 : memref<1x128xi32, #tpu.memory_space<vmem>> -> memref<128xi32, #tpu.memory_space<vmem>>
        %dma_wait3A_133 = arith.constant 0 : i32
        %dma_wait3A_134 = arith.constant 0 : i32
        %dma_wait3A_135 = tpu.memref_slice %arg10[%dma_wait3A_133, %dma_wait3A_134] : memref<10112x128xf32, #tpu.memory_space<vmem_shared>> -> memref<10112x128xf32, #tpu.memory_space<vmem_shared>>
        tpu.wait_indirect_dma semaphore(%run_scoped3A_123 : memref<!tpu.dma_semaphore, #tpu.memory_space<semaphore_mem>>) src(%arg9 : memref<128x128xf32, #tpu.memory_space<vmem>>) dst(%dma_wait3A_135 : memref<10112x128xf32, #tpu.memory_space<vmem_shared>>)
        tpu.yield
      }) : () -> ()
      %add3A_115 = arith.constant 3 : i32
      %add3A_116 = arith.addi %add3A_90, %add3A_115 : i32
      %dma_start3A_117 = arith.constant 0 : i32
      %dma_start3A_118 = tpu.memref_slice %arg6[%add3A_116, %dma_start3A_117] : memref<42x128xi32, #tpu.memory_space<vmem>> -> memref<1x128xi32, #tpu.memory_space<vmem>>
      %dma_start3A_119 = tpu.memref_squeeze %dma_start3A_118 : memref<1x128xi32, #tpu.memory_space<vmem>> -> memref<128xi32, #tpu.memory_space<vmem>>
      %dma_start3A_120 = arith.constant 0 : i32
      %dma_start3A_121 = arith.constant 0 : i32
      %dma_start3A_122 = tpu.memref_slice %arg2[%dma_start3A_120, %dma_start3A_121] : memref<10000x128xf32, #tpu.memory_space<hbm>> -> memref<10000x128xf32, #tpu.memory_space<hbm>>
      tpu.enqueue_indirect_dma source(%dma_start3A_122 : memref<10000x128xf32, #tpu.memory_space<hbm>>) target(%arg9 : memref<128x128xf32, #tpu.memory_space<vmem>>) offsets(%dma_start3A_119 : memref<128xi32, #tpu.memory_space<vmem>>) semaphore(%arg12 : memref<!tpu.dma_semaphore, #tpu.memory_space<semaphore_mem>>)
    }
    %scan3A_70 = arith.constant 20 : i32
    %dma_wait3A_71 = arith.constant 0 : i32
    %dma_wait3A_72 = arith.constant 0 : i32
    %dma_wait3A_73 = tpu.memref_slice %arg6[%dma_wait3A_71, %dma_wait3A_72] : memref<42x128xi32, #tpu.memory_space<vmem>> -> memref<1x128xi32, #tpu.memory_space<vmem>>
    %dma_wait3A_74 = tpu.memref_squeeze %dma_wait3A_73 : memref<1x128xi32, #tpu.memory_space<vmem>> -> memref<128xi32, #tpu.memory_space<vmem>>
    %dma_wait3A_75 = arith.constant 0 : i32
    %dma_wait3A_76 = arith.constant 0 : i32
    %dma_wait3A_77 = tpu.memref_slice %arg2[%dma_wait3A_75, %dma_wait3A_76] : memref<10000x128xf32, #tpu.memory_space<hbm>> -> memref<10000x128xf32, #tpu.memory_space<hbm>>
    tpu.wait_indirect_dma semaphore(%arg11 : memref<!tpu.dma_semaphore, #tpu.memory_space<semaphore_mem>>) src(%dma_wait3A_77 : memref<10000x128xf32, #tpu.memory_space<hbm>>) dst(%arg8 : memref<128x128xf32, #tpu.memory_space<vmem>>)
    %dma_wait3A_78 = arith.constant 1 : i32
    %dma_wait3A_79 = arith.constant 0 : i32
    %dma_wait3A_80 = tpu.memref_slice %arg6[%dma_wait3A_78, %dma_wait3A_79] : memref<42x128xi32, #tpu.memory_space<vmem>> -> memref<1x128xi32, #tpu.memory_space<vmem>>
    %dma_wait3A_81 = tpu.memref_squeeze %dma_wait3A_80 : memref<1x128xi32, #tpu.memory_space<vmem>> -> memref<128xi32, #tpu.memory_space<vmem>>
    %dma_wait3A_82 = arith.constant 0 : i32
    %dma_wait3A_83 = arith.constant 0 : i32
    %dma_wait3A_84 = tpu.memref_slice %arg2[%dma_wait3A_82, %dma_wait3A_83] : memref<10000x128xf32, #tpu.memory_space<hbm>> -> memref<10000x128xf32, #tpu.memory_space<hbm>>
    tpu.wait_indirect_dma semaphore(%arg12 : memref<!tpu.dma_semaphore, #tpu.memory_space<semaphore_mem>>) src(%dma_wait3A_84 : memref<10000x128xf32, #tpu.memory_space<hbm>>) dst(%arg9 : memref<128x128xf32, #tpu.memory_space<vmem>>)
    %barrier3A_85 = arith.constant 0 : index
    tpu.barrier barrier_id(%barrier3A_85)
    "tpu.region"() ({
      %run_scoped3A_86 = tpu.sem_alloc : memref<!tpu.dma_semaphore, #tpu.memory_space<semaphore_mem>>
      %dma_start3A_87 = arith.constant 0 : i32
      %dma_start3A_88 = tpu.memref_slice %arg5[%arg0, %mul3A_7, %dma_start3A_87] : memref<2x10112x128xf32, #tpu.memory_space<hbm>> -> memref<1x632x128xf32, #tpu.memory_space<hbm>>
      %dma_start3A_89 = tpu.memref_squeeze %dma_start3A_88 : memref<1x632x128xf32, #tpu.memory_space<hbm>> -> memref<632x128xf32, #tpu.memory_space<hbm>>
      %dma_start3A_90 = arith.constant 0 : i32
      %dma_start3A_91 = tpu.memref_slice %arg10[%mul3A_7, %dma_start3A_90] : memref<10112x128xf32, #tpu.memory_space<vmem_shared>> -> memref<632x128xf32, #tpu.memory_space<vmem_shared>>
      tpu.enqueue_dma source(%dma_start3A_91 : memref<632x128xf32, #tpu.memory_space<vmem_shared>>) target(%dma_start3A_89 : memref<632x128xf32, #tpu.memory_space<hbm>>) target_semaphore(%run_scoped3A_86 : memref<!tpu.dma_semaphore, #tpu.memory_space<semaphore_mem>>)
      %dma_wait3A_92 = arith.constant 0 : i32
      %dma_wait3A_93 = tpu.memref_slice %arg5[%arg0, %mul3A_7, %dma_wait3A_92] : memref<2x10112x128xf32, #tpu.memory_space<hbm>> -> memref<1x632x128xf32, #tpu.memory_space<hbm>>
      %dma_wait3A_94 = tpu.memref_squeeze %dma_wait3A_93 : memref<1x632x128xf32, #tpu.memory_space<hbm>> -> memref<632x128xf32, #tpu.memory_space<hbm>>
      %dma_wait3A_95 = arith.constant 0 : i32
      %dma_wait3A_96 = tpu.memref_slice %arg10[%mul3A_7, %dma_wait3A_95] : memref<10112x128xf32, #tpu.memory_space<vmem_shared>> -> memref<632x128xf32, #tpu.memory_space<vmem_shared>>
      tpu.wait_dma2 semaphore(%run_scoped3A_86 : memref<!tpu.dma_semaphore, #tpu.memory_space<semaphore_mem>>) src(%dma_wait3A_96 : memref<632x128xf32, #tpu.memory_space<vmem_shared>>) dst(%dma_wait3A_94 : memref<632x128xf32, #tpu.memory_space<hbm>>)
      tpu.yield
    }) : () -> ()
    return
  }
}

module attributes {stable_mosaic.version = 14 : i64} {
  func.func @body(%arg0: i32, %arg1: memref<2x1000x128xf32, #tpu.memory_space<vmem>>, %arg2: memref<1000x128xf32, #tpu.memory_space<vmem>>) attributes {dimension_semantics = [#tpu.dimension_semantics<arbitrary>], iteration_bounds = array<i64: 10>, scalar_prefetch = 0 : i64, scratch_operands = 0 : i64, tpu.core_type = #tpu.core_type<tc>, window_params = [{transform_indices = @transform_0, window_bounds = array<i64: 2, 1000, 128>}, {transform_indices = @transform_1, window_bounds = array<i64: 1000, 128>}]} {
    %get3A = arith.constant 0 : index
    %get3A_0 = arith.constant 0 : index
    %get3A_1 = arith.constant 0 : index
    %get3A_2 = vector.load %arg1[%get3A, %get3A_0, %get3A_1] : memref<2x1000x128xf32, #tpu.memory_space<vmem>>, vector<1x1000x128xf32>
    %get3A_3 = vector.shape_cast %get3A_2 : vector<1x1000x128xf32> to vector<1000x128xf32>
    %get3A_4 = arith.constant 1 : index
    %get3A_5 = arith.constant 0 : index
    %get3A_6 = arith.constant 0 : index
    %get3A_7 = vector.load %arg1[%get3A_4, %get3A_5, %get3A_6] : memref<2x1000x128xf32, #tpu.memory_space<vmem>>, vector<1x1000x128xf32>
    %get3A_8 = vector.shape_cast %get3A_7 : vector<1x1000x128xf32> to vector<1000x128xf32>
    %add3A = arith.addf %get3A_3, %get3A_8 : vector<1000x128xf32>
    %slice3A = vector.extract_strided_slice %add3A {offsets = [0, 0], sizes = [1000, 1], strides = [1, 1]} : vector<1000x128xf32> to vector<1000x1xf32>
    %squeeze3A = vector.shape_cast %slice3A : vector<1000x1xf32> to vector<1000xf32>
    %mul3A = arith.constant 2.000000e+00 : f32
    %mul3A_9 = vector.broadcast %mul3A : f32 to vector<1000xf32>
    %mul3A_10 = arith.mulf %mul3A_9, %squeeze3A : vector<1000xf32>
    %slice3A_11 = vector.extract_strided_slice %add3A {offsets = [0, 0], sizes = [1000, 1], strides = [1, 1]} : vector<1000x128xf32> to vector<1000x1xf32>
    %squeeze3A_12 = vector.shape_cast %slice3A_11 : vector<1000x1xf32> to vector<1000xf32>
    %mul3A_13 = arith.mulf %mul3A_10, %squeeze3A_12 : vector<1000xf32>
    %mul3A_14 = arith.mulf %add3A, %add3A : vector<1000x128xf32>
    %reduce_sum3A = arith.constant dense<0.000000e+00> : vector<1000xf32>
    %reduce_sum3A_15 = vector.multi_reduction <add>, %mul3A_14, %reduce_sum3A [1] : vector<1000x128xf32> to vector<1000xf32>
    %sub3A = arith.subf %mul3A_13, %reduce_sum3A_15 : vector<1000xf32>
    %le3A = arith.constant 9.99999993E-9 : f32
    %le3A_16 = vector.broadcast %le3A : f32 to vector<1000xf32>
    %le3A_17 = arith.cmpf ole, %sub3A, %le3A_16 : vector<1000xf32>
    %iota3A = tpu.iota {dimensions = array<i32: 1>} : vector<1000x128xi32>
    %eq3A = arith.constant 0 : i32
    %eq3A_18 = vector.broadcast %eq3A : i32 to vector<1000x128xi32>
    %eq3A_19 = arith.cmpi eq, %iota3A, %eq3A_18 : vector<1000x128xi32>
    %broadcast_in_dim3A = vector.shape_cast %le3A_17 : vector<1000xi1> to vector<1000x1xi1>
    %convert_element_type3A = arith.extui %eq3A_19 : vector<1000x128xi1> to vector<1000x128xi32>
    %convert_element_type3A_20 = arith.sitofp %convert_element_type3A : vector<1000x128xi32> to vector<1000x128xf32>
    %broadcast_in_dim3A_21 = vector.shape_cast %broadcast_in_dim3A : vector<1000x1xi1> to vector<1000x1xi1>
    %broadcast_in_dim3A_22 = vector.broadcast %broadcast_in_dim3A_21 : vector<1000x1xi1> to vector<1000x128xi1>
    %select_n3A = arith.select %broadcast_in_dim3A_22, %convert_element_type3A_20, %add3A : vector<1000x128xi1>, vector<1000x128xf32>
    %jit3A = arith.constant 1.000000e+00 : f32
    %broadcast_in_dim3A_23 = vector.broadcast %jit3A : f32 to vector<1000xf32>
    %select_n3A_24 = arith.select %le3A_17, %broadcast_in_dim3A_23, %sub3A : vector<1000xi1>, vector<1000xf32>
    %max3A = arith.constant 0.000000e+00 : f32
    %max3A_25 = vector.broadcast %max3A : f32 to vector<1000xf32>
    %max3A_26 = arith.maximumf %select_n3A_24, %max3A_25 : vector<1000xf32>
    %sqrt3A = math.sqrt %max3A_26 : vector<1000xf32>
    %max3A_27 = arith.constant 9.99999996E-13 : f32
    %max3A_28 = vector.broadcast %max3A_27 : f32 to vector<1000xf32>
    %max3A_29 = arith.maximumf %sqrt3A, %max3A_28 : vector<1000xf32>
    %broadcast_in_dim3A_30 = vector.shape_cast %max3A_29 : vector<1000xf32> to vector<1000x1xf32>
    %div3A = vector.broadcast %broadcast_in_dim3A_30 : vector<1000x1xf32> to vector<1000x128xf32>
    %div3A_31 = arith.divf %select_n3A, %div3A : vector<1000x128xf32>
    %slice3A_32 = vector.extract_strided_slice %div3A_31 {offsets = [0, 0], sizes = [1000, 1], strides = [1, 1]} : vector<1000x128xf32> to vector<1000x1xf32>
    %squeeze3A_33 = vector.shape_cast %slice3A_32 : vector<1000x1xf32> to vector<1000xf32>
    %le3A_34 = arith.constant 0.000000e+00 : f32
    %le3A_35 = vector.broadcast %le3A_34 : f32 to vector<1000xf32>
    %le3A_36 = arith.cmpf ole, %squeeze3A_33, %le3A_35 : vector<1000xf32>
    %broadcast_in_dim3A_37 = vector.shape_cast %le3A_36 : vector<1000xi1> to vector<1000x1xi1>
    %neg3A = arith.constant 0.000000e+00 : f32
    %neg3A_38 = vector.broadcast %neg3A : f32 to vector<1000x128xf32>
    %neg3A_39 = arith.subf %neg3A_38, %div3A_31 : vector<1000x128xf32>
    %broadcast_in_dim3A_40 = vector.shape_cast %broadcast_in_dim3A_37 : vector<1000x1xi1> to vector<1000x1xi1>
    %broadcast_in_dim3A_41 = vector.broadcast %broadcast_in_dim3A_40 : vector<1000x1xi1> to vector<1000x128xi1>
    %select_n3A_42 = arith.select %broadcast_in_dim3A_41, %neg3A_39, %div3A_31 : vector<1000x128xi1>, vector<1000x128xf32>
    %swap3A = arith.constant 0 : index
    %swap3A_43 = arith.constant 0 : index
    %swap3A_44 = vector.load %arg2[%swap3A, %swap3A_43] : memref<1000x128xf32, #tpu.memory_space<vmem>>, vector<1000x128xf32>
    tpu.vector_store %arg2[%swap3A, %swap3A_43], %select_n3A_42 {strides = array<i32>} : memref<1000x128xf32, #tpu.memory_space<vmem>>, vector<1000x128xf32>,
    return
  }
  func.func @transform_0(%arg0: i32) -> (i32, i32, i32) {
    %c0_i32 = arith.constant 0 : i32
    %c0_i32_0 = arith.constant 0 : i32
    %c0_i32_1 = arith.constant 0 : i32
    return %c0_i32, %arg0, %c0_i32_0 : i32, i32, i32
  }
  func.func @transform_1(%arg0: i32) -> (i32, i32) {
    %c0_i32 = arith.constant 0 : i32
    %c0_i32_0 = arith.constant 0 : i32
    return %arg0, %c0_i32 : i32, i32
  }
}

</mosaic_0001>

<sc_bundles>
// kernel: kernel.4.cloned.1.call-start
scs
__scs_entry_jumppad:
0x0: {  	(pc) =	sbr.rel $0x88, $3  }
0x1: {  	(tag) =	ssettag $0x0;
	lr =	simm.s32 $0x1  }
0x2: {  	[smem:$0x3F9F] =	sst lr;
	_ =	strace $0xD0000000  }
0x3: {  	_ = 	snop  }
0x4: {  	_ = 	snop  }
0x5: {  	_ = 	snop  }
0x6: {  	_ = 	snop  }
0x7: {  	_ = 	snop  }
__scs_overlays_trampoline_lowered:
0x8: {  	[smem:$0x3FAE] =	sst s0  }
0x9: {  	[smem:$0x3FAF] =	sst s1  }
0xa: {  	[smem:$0x3FB0] =	sst s2  }
0xb: {  	[smem:$0x3FB1] =	sst s3  }
0xc: {  	[smem:$0x3FB2] =	sst s4  }
0xd: {  	[smem:$0x3FB3] =	sst s5  }
0xe: {  	[smem:$0x3FB4] =	sst s6  }
0xf: {  	[smem:$0x3FB5] =	sst s7  }
0x10: {  	[smem:$0x3FB6] =	sst s8  }
0x11: {  	[smem:$0x3FB7] =	sst s9;
	s0 =	simm.s32 @!p0 $0x0  }
0x12: {  	s1 =	sld [smem:$0x3F9D];
	s0 =	simm.s32 @p0 $0x1  }
0x13: {  	[smem:$0x3FB8] =	sst s0;
	s0 =	simm.s32 @!p1 $0x0  }
0x14: {  	s2 =	sld [smem:$0x3F9C];
	s0 =	simm.s32 @p1 $0x1  }
0x15: {  	[smem:$0x3FB9] =	sst s0;
	s0 =	simm.s32 @!p2 $0x0  }
0x16: {  	s3 =	sld [smem:$0x3FDB];
	s0 =	simm.s32 @p2 $0x1  }
0x17: {  	s4 =	simm.s32 $0x1BF5;
	[smem:$0x3FBB] =	sst s0  }
0x18: {  	s0 =	sld [smem:$0x3F9E];
	_ =	swait.ge [sflag:s4], $0x0  }
0x19: {  	s7 =	sld [smem:$0x3F9F]  }
0x1a: {  	s8 =	sadd.s32 $0xFFFFE003, lr  }
0x1b: {  	s9 =	sadd.s32 $0xFFFFFEF7, lr;
	s5 =	simm.s32 $0xFFFFFFFF;
	p2 =	slt.u32 s8, $0xFFFFF086  }
0x1c: {  	p1 =	slt.u32 s9, $0xF7A;
	s5 =	simm.s32 @!p2 $0x0  }
0x1d: {  	s5 =	simm.s32 @p1 $0x1;
	p0 =	seq.s32 s7, s2  }
0x1e: {  	s7 =	smul.u32 @!p0 $0xF7A, s2;
	p2 =	seq.s32 @!p0 s5, $0x0  }
0x1f: {  	s9 =	smul.u32 $0xF7A, s1;
	s8 =	simm.s32 @!p0 $0x1BF5;
	p2 =	por !p2, p0  }
0x20: {  	[sflag:s8] =	ssyncset.s32 @!p0 $0xFFFFF086;
	s6 =	sadd.s32 @!p0 s3, s7;
	s7 =	simm.s32 @!p0 $0x108  }
0x21: {  	s3 =	sadd.s32 s3, s9;
	s6 =	sadd.s32 @!p0 $0x88, s6;
	s7 =	simm.s32 @p2 $0x1082  }
0x22: {  	[simem:s7], [sflag:s8] =	dma.local @!p0 [hbm:s6], $0xF7A  }
0x23: {  	s9 =	sor.u32 $0xD0000000, s2;
	s6 =	simm.s32 $0x108;
	_ =	swait.ge @!p0 [sflag:s8], $0x0  }
0x24: {  	s3 =	sadd.s32 $0x88, s3;
	s6 =	simm.s32 @!p1 $0x1082;
	[sflag:s4] =	ssyncset.s32 $0xFFFFF086  }
0x25: {  	[simem:s6], [sflag:s4] =	dma.local [hbm:s3], $0xF7A  }
0x26: {  	[smem:$0x3F9F] =	sst s1;
	(tag) =	ssettag s2;
	_ =	strace s9  }
0x27: {  	s1 =	sld [smem:$0x3FAF]  }
0x28: {  	s2 =	sld [smem:$0x3FB0]  }
0x29: {  	s4 =	sld [smem:$0x3FB2]  }
0x2a: {  	p0 =	seq.s32 s5, $0x0;
	s5 =	sld [smem:$0x3FB3]  }
0x2b: {  	s6 =	sld [smem:$0x3FB4]  }
0x2c: {  	s7 =	sld [smem:$0x3FB5]  }
0x2d: {  	s3 =	simm.s32 $0x108;
	s8 =	sld [smem:$0x3FB6]  }
0x2e: {  	s3 =	simm.s32 @!p0 $0x1082;
	s9 =	sld [smem:$0x3FB7]  }
0x2f: {  	lr =	sadd.s32 s0, s3;
	s0 =	sld [smem:$0x3FAE]  }
0x30: {  	s3 =	sld [smem:$0x3FB1]  }
0x31: {  	[smem:$0x3FBA] =	sst s10  }
0x32: {  	s10 =	sld [smem:$0x3FB8];
	_ =	sdelay $0x3  }
0x33: {  	p0 =	seq.s32 s10, $0x1;
	s10 =	sld [smem:$0x3FBA];
	_ =	sdelay $0x3  }
0x34: {  	[smem:$0x3FBA] =	sst s10  }
0x35: {  	s10 =	sld [smem:$0x3FB9];
	_ =	sdelay $0x3  }
0x36: {  	p1 =	seq.s32 s10, $0x1;
	s10 =	sld [smem:$0x3FBA];
	_ =	sdelay $0x3  }
0x37: {  	[smem:$0x3FBA] =	sst s10  }
0x38: {  	s10 =	sld [smem:$0x3FBB]  }
0x39: {  	_ = 	snop;
	(pc) =	sbr.ind lr, $3  }
0x3a: {  	_ = 	snop  }
0x3b: {  	_ = 	snop  }
0x3c: {  	p2 =	seq.s32 s10, $0x1;
	s10 =	sld [smem:$0x3FBA]  }
0x3d: {  	_ =	shalt  }
0x3e: {  	_ =	shalt  }
0x3f: {  	_ =	shalt  }
0x40: {  	_ =	shalt  }
0x41: {  	_ =	shalt  }
0x42: {  	_ =	shalt  }
0x43: {  	_ =	shalt  }
0x44: {  	_ =	shalt  }
0x45: {  	_ =	shalt  }
0x46: {  	_ =	shalt  }
0x47: {  	_ =	shalt  }
0x48: {  	_ =	shalt  }
0x49: {  	_ =	shalt  }
0x4a: {  	_ =	shalt  }
0x4b: {  	_ =	shalt  }
0x4c: {  	_ =	shalt  }
0x4d: {  	_ =	shalt  }
0x4e: {  	_ =	shalt  }
0x4f: {  	_ =	shalt  }
0x50: {  	_ =	shalt  }
0x51: {  	_ =	shalt  }
0x52: {  	_ =	shalt  }
0x53: {  	_ =	shalt  }
0x54: {  	_ =	shalt  }
0x55: {  	_ =	shalt  }
0x56: {  	_ =	shalt  }
0x57: {  	_ =	shalt  }
0x58: {  	_ =	shalt  }
0x59: {  	_ =	shalt  }
0x5a: {  	_ =	shalt  }
0x5b: {  	_ =	shalt  }
0x5c: {  	_ =	shalt  }
0x5d: {  	_ =	shalt  }
0x5e: {  	_ =	shalt  }
0x5f: {  	_ =	shalt  }
0x60: {  	_ =	shalt  }
0x61: {  	_ =	shalt  }
0x62: {  	_ =	shalt  }
0x63: {  	_ =	shalt  }
0x64: {  	_ =	shalt  }
0x65: {  	_ =	shalt  }
0x66: {  	_ =	shalt  }
0x67: {  	_ =	shalt  }
0x68: {  	_ =	shalt  }
0x69: {  	_ =	shalt  }
0x6a: {  	_ =	shalt  }
0x6b: {  	_ =	shalt  }
0x6c: {  	_ =	shalt  }
0x6d: {  	_ =	shalt  }
0x6e: {  	_ =	shalt  }
0x6f: {  	_ =	shalt  }
0x70: {  	_ =	shalt  }
0x71: {  	_ =	shalt  }
0x72: {  	_ =	shalt  }
0x73: {  	_ =	shalt  }
0x74: {  	_ =	shalt  }
0x75: {  	_ =	shalt  }
0x76: {  	_ =	shalt  }
0x77: {  	_ =	shalt  }
0x78: {  	_ =	shalt  }
0x79: {  	_ =	shalt  }
0x7a: {  	_ =	shalt  }
0x7b: {  	_ =	shalt  }
0x7c: {  	_ =	shalt  }
0x7d: {  	_ =	shalt  }
0x7e: {  	_ =	shalt  }
0x7f: {  	_ =	shalt  }
0x80: {  	_ =	shalt  }
0x81: {  	_ =	shalt  }
0x82: {  	_ =	shalt  }
0x83: {  	_ =	shalt  }
0x84: {  	_ =	shalt  }
0x85: {  	_ =	shalt  }
0x86: {  	_ =	shalt  }
0x87: {  	_ =	shalt  }
.Lfunc_end0:
.L_simem_size_0:
called_computation_lowered:
.L_overlay_start_0:
0x88: {  	s2 =	sld [smem:$0x3FD9]  }
0x89: {  	s3 =	sld [smem:$0x3FFE];
	_ =	sdelay $0x1  }
0x8a: {  	s1 =	srdreg.scid  }
0x8b: {  	s0 =	sand.u32 $0x1, s1  }
0x8c: {  	s17 =	sshll.u32 s0, $0xA;
	s2 =	sadd.s32 s3, s2  }
0x8d: {  	s2 =	sadd.s32 s2, s17  }
0x8e: {  	[smem:$0x3FC6] =	sst s2  }
0x8f: {  	_ = 	snop  }
0x90: {  	s2 =	sld [smem:$0x3FC9]  }
0x91: {  	s18 =	sld [smem:$0x3FD0];
	(tm) =	ssettm $0x1  }
0x92: {  	s4 =	sld [smem:$0x3FFB];
	_ =	sdelay $0x3  }
0x93: {  	_ =	strace s4  }
0x94: {  	s4 =	sld [smem:$0x3FFC];
	_ =	sdelay $0x3  }
0x95: {  	_ =	strace s4  }
0x96: {  	s4 =	sld [smem:$0x3FFD];
	_ =	sdelay $0x3  }
0x97: {  	_ =	strace s4  }
0x98: {  	_ =	strace $0x8FFFFFFF  }
0x99: {  	s19 =	sld [smem:$0x3FDB];
	_ =	sdelay $0x1  }
0x9a: {  	s5 =	simm.s32 $_scs_section_size  }
0x9b: {  	s6 =	simm.s32 $_size__tile_overlayer_lowered;
	s7 =	simm.s32 $_tile_overlayer_lowered  }
0x9c: {  	s22 =	simm.s32 $0x1BFF;
	s21 =	sshll.u32 s7, $0x1;
	s4 =	sadd.s32 s5, s19  }
0x9d: {  	s8 =	simm.s32 $0x0;
	s20 =	sshll.u32 s6, $0x1;
	s6 =	sadd.s32 s21, s4  }
0x9e: {  	[timem:s8], [sflag:s22] =	dma.local [hbm:s6], s20  }
0x9f: {  	_ =	swait.ge [sflag:s22], s20  }
0xa0: {  	s5 =	ssub.s32 $0x0, s20;
	[sflag:s22] =	ssyncset.done $0x0  }
0xa1: {  	[sflag:s22] =	ssyncadd.s32 s5;
	_ =	sdelay $0x1  }
0xa2: {  	s23 =	simm.s32 $0x1B8B  }
0xa3: {  	_ =	swait.ge [sflag:s23], $0x1  }
0xa4: {  	[sflag:s23] =	ssyncset.done $0x0  }
0xa5: {  	s25 =	simm.s32 $0x1B8E;
	s24 =	sld [smem:$0x3FFE];
	[sflag:s23] =	ssyncadd.s32 $0xFFFFFFFF  }
0xa6: {  	s26 =	simm.s32 $execute0_lowered;
	[smem:$0x3FD2] =	sst s25  }
0xa7: {  	s6 =	sshll.u32 s26, $0x1;
	_ =	strace $0x80000046;
	[dreg:$0x1] =	wrdreg $0xFFFFFFFF  }
0xa8: {  	s28 =	simm.s32 $_size_execute0_lowered;
	s4 =	sadd.s32 s4, s6;
	[dreg:$0x0] =	wrdreg $0x0  }
0xa9: {  	s6 =	sshll.u32 s28, $0x1;
	[dreg:$0x2] =	wrdreg s4  }
0xaa: {  	[dreg:$0x3] =	wrdreg s6  }
0xab: {  	[dreg:$0x4] =	wrdreg $0xC0  }
0xac: {  	_ =	task [dreg:s8], $0x5FFFF  }
0xad: {  	[dreg:$0x1] =	wrdreg $0xFFFFFFFF  }
0xae: {  	[dreg:$0x0] =	wrdreg $0x60  }
0xaf: {  	[dreg:$0x2] =	wrdreg s2  }
0xb0: {  	[dreg:$0x3] =	wrdreg s18  }
0xb1: {  	[dreg:$0x4] =	wrdreg s24  }
0xb2: {  	[dreg:$0x5] =	wrdreg $0xAC000  }
0xb3: {  	[dreg:$0x6] =	wrdreg $0x9  }
0xb4: {  	_ =	task.clear_ibuf [dreg:s8], $0x7FFFF;
	_ =	strace $0x90000046  }
0xb5: {  	s29 =	simm.s32 $0x9;
	_ =	strace $0x80000048  }
0xb6: {  	_ =	swait.ge [sflag:s29], $0x1  }
0xb7: {  	[sflag:s29] =	ssyncadd.s32 $0xFFFFFFFF  }
0xb8: {  	_ =	strace $0x90000048  }
0xb9: {  	_ =	sfence  }
0xba: {  	s30 =	sld [smem:$0x0];
	_ =	sdelay $0x2  }
0xbb: {  	s31 =	sshll.u32 s1, $0xD;
	s1 =	sshrl.u32 s1, $0x2  }
0xbc: {  	s3 =	sand.u32 $0x4000, s31;
	s1 =	sadd.s32 s1, s30  }
0xbd: {  	s0 =	sor.u32 s3, s0;
	s1 =	sshll.u32 s1, $0x11  }
0xbe: {  	s0 =	sor.u32 s1, s0  }
0xbf: {  	s0 =	sadd.s32 $0x8F2B, s0  }
0xc0: {  	[sflag:s0] =	ssyncadd.remote.s32 $0x1  }
0xc1: {  	_ =	sfence.sel $0xFFFF  }
0xc2: {  	[dreg:$0x0] =	wrdreg $0xFFFFFFFF;
	(pc) =	sbr.abs _section_cstart, $3  }
0xc3: {  	[dreg:$0x1] =	wrdreg $0xFFFFFFFF  }
0xc4: {  	_ =	task.clear_ibuf [dreg:s8], $0x2FFFF;
	_ =	strace $0x9FFFFFFF  }
0xc5: {  	(tm) =	ssettm $0x7FFFFFFF  }
tec
execute0_lowered:
.L_overlay_start_1:
0x0: {  	(tag) =	ssettag $0x1  }
0x1: {  	s0 =	rddreg [dreg:$0x0]  }
0x2: {  	s9 =	rddreg [dreg:$0x1]  }
0x3: {  	s10 =	rddreg [dreg:$0x2];
	s1 =	srdreg.scid  }
0x4: {  	s3 =	rddreg [dreg:$0x3];
	s2 =	stileid.u32  }
0x5: {  	s4 =	simm.s32 $0x0;
	s16 =	simm.s32 $0x2C00;
	s17 =	simm.s32 $0x3  }
0x6: {  	s18 =	simm.s32 $0x1800;
	s19 =	simm.s32 $0x80;
	s20 =	simm.s32 $0x6C00  }
0x7: {  	s21 =	simm.s32 $0x1;
	s22 =	simm.s32 $0x2;
	s7 =	smul.u32 $0x13C00, s2  }
0x8: {  	s5 =	sand.u32 $0x1, s1;
	s1 =	rddreg [dreg:$0x4];
	s8 =	smul.u32 $0x4F000, s2  }
0x9: {  	[smem:$0x7FF] =	sst s4;
	s6 =	smul.u32 $0x13C000, s5;
	s26 =	sshll.u32 s5, $0x4  }
0xa: {  	_ =	strace $0x80000047;
	s11 =	ssub.s32 $0x2, s5;
	s28 =	sshrl.u32 s8, $0x2  }
0xb: {  	s12 =	sshrl.u32 s11, $0x1;
	s6 =	sadd.s32 s7, s6;
	s7 =	sor.u32 s2, s26  }
0xc: {  	s5 =	sadd.s32 s28, s3;
	s15 =	ssub.s32 s11, s12;
	s29 =	smul.u32 $0x3000, s7  }
0xd: {  	s6 =	sshrl.u32 s6, $0x3;
	s13 =	smul.u32 $0x2800, s7;
	s7 =	sadd.s32 $0x8000, s5  }
0xe: {  	s8 =	sadd.s32 $0xC000, s5;
	s11 =	sadd.s32 $0x10000, s5;
	s15 =	smax.u32 s15, $0x1  }
0xf: {  	s14 =	sadd.s32 s6, s10;
	s30 =	sshrl.u32 s29, $0x3;
	s31 =	sshrl.u32 s13, $0x3  }
0x10: {  	s6 =	sadd.s32 $0x4000, s5;
	s9 =	sadd.s32 s9, s30;
	s10 =	sadd.s32 s10, s31  }
0x11: {  	v0 =	vimm.f32 $0.0e+00;
	s14 =	sadd.s32 $0xA000, s14;
	s12 =	sadd.s32 $0x300, s9;
	s13 =	sadd.s32 $0x280, s10  }
.LBB2_1:
0x12: {  	s23 =	simm.s32 $0x0;
	s24 =	simm.s32 $0x200  }
.LBB2_2:
0x13: {  	p0 =	sne.s32 s24, $0xFE00;
	[tilespmem:s23+$0x2C70] =	vst v0  }
0x14: {  	[tilespmem:s23+$0x2C00] =	vst v0  }
0x15: {  	[tilespmem:s23+$0x2C10] =	vst v0  }
.Ltmp0:
0x16: {  	[tilespmem:s23+$0x2C20] =	vst v0;
	(pc) =	sbr.rel @p0 .LBB2_2-.Ltmp0, $4  }
0x17: {  	[tilespmem:s23+$0x2C30] =	vst v0  }
0x18: {  	[tilespmem:s23+$0x2C40] =	vst v0  }
0x19: {  	[tilespmem:s23+$0x2C50] =	vst v0  }
0x1a: {  	[tilespmem:s23+$0x2C60] =	vst v0;
	s23 =	sshra.s32 s24, $0x2;
	s24 =	sadd.s32 $0x200, s24  }
0x1b: {  	[tilespmem:s23+$0x2C70] =	vst v0  }
0x1c: {  	[tilespmem:s23+$0x2C00] =	vst v0  }
0x1d: {  	[tilespmem:s23+$0x2C10] =	vst v0  }
0x1e: {  	[tilespmem:s23+$0x2C20] =	vst v0  }
0x1f: {  	[tilespmem:s23+$0x2C30] =	vst v0  }
0x20: {  	[tilespmem:s23+$0x2C40] =	vst v0  }
0x21: {  	[tilespmem:s23+$0x2C50] =	vst v0  }
0x22: {  	[tilespmem:s23+$0x2C60] =	vst v0  }
0x23: {  	[spmem:s5] =	stream.linear.scatter [tilespmem:s16], [sflag:$0x3], $0x4000, $0x38;
	[tilespmem:$0x1E800] =	vst v63  }
0x24: {  	_ =	swait.ge [sflag:s17], $0x4000  }
0x25: {  	[sflag:s17] =	ssyncset.done $0x0  }
0x26: {  	[sflag:s17] =	ssyncadd.s32 $0xFFFFC000  }
0x27: {  	[spmem:s6] =	stream.linear.scatter [tilespmem:s16], [sflag:$0x3], $0x4000, $0x38;
	[tilespmem:$0x1E800] =	vst v63  }
0x28: {  	_ =	swait.ge [sflag:s17], $0x4000  }
0x29: {  	[sflag:s17] =	ssyncset.done $0x0  }
0x2a: {  	[sflag:s17] =	ssyncadd.s32 $0xFFFFC000  }
0x2b: {  	[spmem:s7] =	stream.linear.scatter [tilespmem:s16], [sflag:$0x3], $0x4000, $0x38;
	[tilespmem:$0x1E800] =	vst v63  }
0x2c: {  	_ =	swait.ge [sflag:s17], $0x4000  }
0x2d: {  	[sflag:s17] =	ssyncset.done $0x0  }
0x2e: {  	[sflag:s17] =	ssyncadd.s32 $0xFFFFC000  }
0x2f: {  	[spmem:s8] =	stream.linear.scatter [tilespmem:s16], [sflag:$0x3], $0x4000, $0x38;
	[tilespmem:$0x1E800] =	vst v63  }
0x30: {  	_ =	swait.ge [sflag:s17], $0x4000  }
0x31: {  	[sflag:s17] =	ssyncset.done $0x0  }
0x32: {  	[sflag:s17] =	ssyncadd.s32 $0xFFFFC000  }
0x33: {  	[spmem:s11] =	stream.linear.scatter [tilespmem:s16], [sflag:$0x3], $0x3C00, $0x38;
	[tilespmem:$0x1E800] =	vst v63  }
0x34: {  	_ =	swait.ge [sflag:s17], $0x3C00  }
0x35: {  	[sflag:s17] =	ssyncset.done $0x0  }
0x36: {  	s28 =	simm.s32 $0x0;
	[sflag:s17] =	ssyncadd.s32 $0xFFFFC400  }
0x37: {  	[tilespmem:s28], [sflag:$0x3] =	stream.linear.gather [hbm4b:s9+s28], $0x1500, $0x38;
	[tilespmem:$0x1E800] =	vst v63  }
0x38: {  	_ =	swait.ge [sflag:s17], $0x1500  }
0x39: {  	[sflag:s17] =	ssyncset.done $0x0  }
0x3a: {  	[sflag:s17] =	ssyncadd.s32 $0xFFFFEB00  }
0x3b: {  	[tilespmem:s18], [sflag:$0x3] =	stream.linear.gather [hbm4b:s10+s28], $0x1400, $0x38;
	[tilespmem:$0x1E800] =	vst v63  }
0x3c: {  	_ =	swait.ge [sflag:s17], $0x1400  }
0x3d: {  	[sflag:s17] =	ssyncset.done $0x0  }
0x3e: {  	[sflag:s17] =	ssyncadd.s32 $0xFFFFEC00  }
0x3f: {  	[tilespmem:s16], [sflag:$0x1] =	stream.indirect.gather [hbm4b:s0+s19], $0x80, s28, s19, $0xb8;
	[tilespmem:$0x1E800] =	vst v63  }
0x40: {  	_ = 	snop  }
0x41: {  	[tilespmem:s20], [sflag:$0x2] =	stream.indirect.gather [hbm4b:s0+s19], $0x80, s19, s19, $0xb8;
	[tilespmem:$0x1E800] =	vst v63  }
0x42: {  	[bflag:$0x0] =	sbarrier.arrive $0xFFFF  }
0x43: {  	_ =	swait.ge [sflag:s21], $0x4000  }
0x44: {  	[sflag:s21] =	ssyncset.done $0x0  }
0x45: {  	s29 =	simm.s32 $0x1800;
	[sflag:s21] =	ssyncadd.s32 $0xFFFFC000  }
0x46: {  	[spmem:s3] =	stream.indirect.scatter.add.f32 [tilespmem:s16], [sflag:$0x3], $0x80, s29, s19, $0xb8;
	[tilespmem:$0x1E800] =	vst v63  }
0x47: {  	_ =	swait.ge [sflag:s17], $0x4000  }
0x48: {  	[sflag:s17] =	ssyncset.done $0x0  }
0x49: {  	s30 =	simm.s32 $0x100;
	[sflag:s17] =	ssyncadd.s32 $0xFFFFC000  }
0x4a: {  	[tilespmem:s16], [sflag:$0x1] =	stream.indirect.gather [hbm4b:s0+s19], $0x80, s30, s19, $0xb8;
	[tilespmem:$0x1E800] =	vst v63  }
0x4b: {  	_ =	swait.ge [sflag:s22], $0x4000  }
0x4c: {  	[sflag:s22] =	ssyncset.done $0x0  }
0x4d: {  	s31 =	simm.s32 $0x1880;
	[sflag:s22] =	ssyncadd.s32 $0xFFFFC000  }
0x4e: {  	[spmem:s3] =	stream.indirect.scatter.add.f32 [tilespmem:s20], [sflag:$0x3], $0x80, s31, s19, $0xb8;
	[tilespmem:$0x1E800] =	vst v63  }
0x4f: {  	_ =	swait.ge [sflag:s17], $0x4000  }
0x50: {  	[sflag:s17] =	ssyncset.done $0x0  }
0x51: {  	s23 =	simm.s32 $0x400;
	s24 =	simm.s32 $0x180;
	[sflag:s17] =	ssyncadd.s32 $0xFFFFC000  }
.LBB2_4:
0x52: {  	[tilespmem:s20], [sflag:$0x2] =	stream.indirect.gather [hbm4b:s0+s19], $0x80, s24, s19, $0xb8;
	[tilespmem:$0x1E800] =	vst v63  }
0x53: {  	s24 =	smov.u32 s23  }
0x54: {  	p0 =	sne.s32 s23, $0x4C00;
	s23 =	sadd.s32 $0x400, s23;
	_ =	swait.ge [sflag:s21], $0x4000  }
0x55: {  	s24 =	sshra.s32 s24, $0x2;
	[sflag:s21] =	ssyncset.done $0x0  }
0x56: {  	s25 =	sadd.s32 $0x1800, s24;
	[sflag:s21] =	ssyncadd.s32 $0xFFFFC000  }
0x57: {  	[spmem:s3] =	stream.indirect.scatter.add.f32 [tilespmem:s16], [sflag:$0x3], $0x80, s25, s19, $0xb8;
	[tilespmem:$0x1E800] =	vst v63  }
0x58: {  	_ =	swait.ge [sflag:s17], $0x4000  }
0x59: {  	[sflag:s17] =	ssyncset.done $0x0  }
0x5a: {  	s25 =	sadd.s32 $0x100, s24;
	[sflag:s17] =	ssyncadd.s32 $0xFFFFC000  }
0x5b: {  	[tilespmem:s16], [sflag:$0x1] =	stream.indirect.gather [hbm4b:s0+s19], $0x80, s25, s19, $0xb8;
	[tilespmem:$0x1E800] =	vst v63  }
0x5c: {  	_ =	swait.ge [sflag:s22], $0x4000  }
0x5d: {  	[sflag:s22] =	ssyncset.done $0x0  }
.Ltmp1:
0x5e: {  	s25 =	sadd.s32 $0x1880, s24;
	[sflag:s22] =	ssyncadd.s32 $0xFFFFC000;
	(pc) =	sbr.rel @p0 .LBB2_4-.Ltmp1, $4  }
0x5f: {  	[spmem:s3] =	stream.indirect.scatter.add.f32 [tilespmem:s20], [sflag:$0x3], $0x80, s25, s19, $0xb8;
	[tilespmem:$0x1E800] =	vst v63  }
0x60: {  	_ =	swait.ge [sflag:s17], $0x4000  }
0x61: {  	[sflag:s17] =	ssyncset.done $0x0  }
0x62: {  	s24 =	sadd.s32 $0x180, s24;
	[sflag:s17] =	ssyncadd.s32 $0xFFFFC000  }
0x63: {  	[tilespmem:s20], [sflag:$0x2] =	stream.indirect.gather [hbm4b:s0+s19], $0x80, s24, s19, $0xb8;
	[tilespmem:$0x1E800] =	vst v63  }
0x64: {  	_ =	swait.ge [sflag:s21], $0x4000  }
0x65: {  	[sflag:s21] =	ssyncset.done $0x0  }
0x66: {  	[sflag:s21] =	ssyncadd.s32 $0xFFFFC000  }
0x67: {  	_ =	swait.ge [sflag:s22], $0x4000  }
0x68: {  	[sflag:s22] =	ssyncset.done $0x0  }
0x69: {  	s23 =	simm.s32 $0x0;
	[sflag:s22] =	ssyncadd.s32 $0xFFFFC000  }
0x6a: {  	[tilespmem:s23], [sflag:$0x3] =	stream.linear.gather [hbm4b:s12+s23], $0x1500, $0x38;
	[tilespmem:$0x1E800] =	vst v63  }
0x6b: {  	_ =	swait.ge [sflag:s17], $0x1500  }
0x6c: {  	[sflag:s17] =	ssyncset.done $0x0  }
0x6d: {  	[sflag:s17] =	ssyncadd.s32 $0xFFFFEB00  }
0x6e: {  	[tilespmem:s18], [sflag:$0x3] =	stream.linear.gather [hbm4b:s13+s23], $0x1400, $0x38;
	[tilespmem:$0x1E800] =	vst v63  }
0x6f: {  	_ =	swait.ge [sflag:s17], $0x1400  }
0x70: {  	[sflag:s17] =	ssyncset.done $0x0  }
0x71: {  	[sflag:s17] =	ssyncadd.s32 $0xFFFFEC00  }
0x72: {  	[tilespmem:s16], [sflag:$0x1] =	stream.indirect.gather [hbm4b:s0+s19], $0x80, s23, s19, $0xb8;
	[tilespmem:$0x1E800] =	vst v63  }
0x73: {  	_ = 	snop  }
0x74: {  	[tilespmem:s20], [sflag:$0x2] =	stream.indirect.gather [hbm4b:s0+s19], $0x80, s19, s19, $0xb8;
	[tilespmem:$0x1E800] =	vst v63  }
0x75: {  	_ =	swait.ge [sflag:s21], $0x4000  }
0x76: {  	[sflag:s21] =	ssyncset.done $0x0  }
0x77: {  	s29 =	simm.s32 $0x1800;
	[sflag:s21] =	ssyncadd.s32 $0xFFFFC000  }
0x78: {  	[spmem:s3] =	stream.indirect.scatter.add.f32 [tilespmem:s16], [sflag:$0x3], $0x80, s29, s19, $0xb8;
	[tilespmem:$0x1E800] =	vst v63  }
0x79: {  	_ =	swait.ge [sflag:s17], $0x4000  }
0x7a: {  	[sflag:s17] =	ssyncset.done $0x0  }
0x7b: {  	s30 =	simm.s32 $0x100;
	[sflag:s17] =	ssyncadd.s32 $0xFFFFC000  }
0x7c: {  	[tilespmem:s16], [sflag:$0x1] =	stream.indirect.gather [hbm4b:s0+s19], $0x80, s30, s19, $0xb8;
	[tilespmem:$0x1E800] =	vst v63  }
0x7d: {  	_ =	swait.ge [sflag:s22], $0x4000  }
0x7e: {  	[sflag:s22] =	ssyncset.done $0x0  }
0x7f: {  	s31 =	simm.s32 $0x1880;
	[sflag:s22] =	ssyncadd.s32 $0xFFFFC000  }
0x80: {  	[spmem:s3] =	stream.indirect.scatter.add.f32 [tilespmem:s20], [sflag:$0x3], $0x80, s31, s19, $0xb8;
	[tilespmem:$0x1E800] =	vst v63  }
0x81: {  	_ =	swait.ge [sflag:s17], $0x4000  }
0x82: {  	[sflag:s17] =	ssyncset.done $0x0  }
0x83: {  	s24 =	simm.s32 $0x180;
	s23 =	simm.s32 $0x400;
	[sflag:s17] =	ssyncadd.s32 $0xFFFFC000  }
.LBB2_6:
0x84: {  	[tilespmem:s20], [sflag:$0x2] =	stream.indirect.gather [hbm4b:s0+s19], $0x80, s24, s19, $0xb8;
	[tilespmem:$0x1E800] =	vst v63  }
0x85: {  	s24 =	smov.u32 s23  }
0x86: {  	p0 =	sne.s32 s23, $0x4C00;
	s23 =	sadd.s32 $0x400, s23;
	_ =	swait.ge [sflag:s21], $0x4000  }
0x87: {  	s24 =	sshra.s32 s24, $0x2;
	[sflag:s21] =	ssyncset.done $0x0  }
0x88: {  	s25 =	sadd.s32 $0x1800, s24;
	[sflag:s21] =	ssyncadd.s32 $0xFFFFC000  }
0x89: {  	[spmem:s3] =	stream.indirect.scatter.add.f32 [tilespmem:s16], [sflag:$0x3], $0x80, s25, s19, $0xb8;
	[tilespmem:$0x1E800] =	vst v63  }
0x8a: {  	_ =	swait.ge [sflag:s17], $0x4000  }
0x8b: {  	[sflag:s17] =	ssyncset.done $0x0  }
0x8c: {  	s25 =	sadd.s32 $0x100, s24;
	[sflag:s17] =	ssyncadd.s32 $0xFFFFC000  }
0x8d: {  	[tilespmem:s16], [sflag:$0x1] =	stream.indirect.gather [hbm4b:s0+s19], $0x80, s25, s19, $0xb8;
	[tilespmem:$0x1E800] =	vst v63  }
0x8e: {  	_ =	swait.ge [sflag:s22], $0x4000  }
0x8f: {  	[sflag:s22] =	ssyncset.done $0x0  }
.Ltmp2:
0x90: {  	s25 =	sadd.s32 $0x1880, s24;
	[sflag:s22] =	ssyncadd.s32 $0xFFFFC000;
	(pc) =	sbr.rel @p0 .LBB2_6-.Ltmp2, $4  }
0x91: {  	[spmem:s3] =	stream.indirect.scatter.add.f32 [tilespmem:s20], [sflag:$0x3], $0x80, s25, s19, $0xb8;
	[tilespmem:$0x1E800] =	vst v63  }
0x92: {  	_ =	swait.ge [sflag:s17], $0x4000  }
0x93: {  	[sflag:s17] =	ssyncset.done $0x0  }
0x94: {  	s24 =	sadd.s32 $0x180, s24;
	[sflag:s17] =	ssyncadd.s32 $0xFFFFC000  }
0x95: {  	[tilespmem:s20], [sflag:$0x2] =	stream.indirect.gather [hbm4b:s0+s19], $0x80, s24, s19, $0xb8;
	[tilespmem:$0x1E800] =	vst v63  }
0x96: {  	_ =	swait.ge [sflag:s21], $0x4000  }
0x97: {  	[sflag:s21] =	ssyncset.done $0x0  }
0x98: {  	[sflag:s21] =	ssyncadd.s32 $0xFFFFC000  }
0x99: {  	_ =	swait.ge [sflag:s22], $0x4000  }
0x9a: {  	s23 =	sshll.u32 s2, $0x6;
	s4 =	sadd.s32 $0x1, s4;
	[sflag:s22] =	ssyncset.done $0x0  }
0x9b: {  	s31 =	sshrl.u32 s5, $0x3;
	p0 =	sne.s32 s4, s15;
	[sflag:s22] =	ssyncadd.s32 $0xFFFFC000  }
.Ltmp3:
0x9c: {  	s23 =	sor.u32 $0x1C03, s23;
	[bflag:$0x0] =	sbarrier.arrive $0xFFFF;
	(pc) =	sbr.rel @p0 .LBB2_1-.Ltmp3, $4  }
0x9d: {  	[hbm:s14], [sflag:s23] =	dma.local [spmem:s31], $0x2780  }
0x9e: {  	_ =	swait.ge [sflag:s17], $0x2780  }
0x9f: {  	[sflag:s17] =	ssyncset.done $0x0  }
0xa0: {  	[sflag:s17] =	ssyncadd.s32 $0xFFFFD880  }
0xa1: {  	_ =	sfence.sel $0x180000  }
0xa2: {  	[bflag:$0x0] =	sbarrier.arrive $0xFFFF  }
0xa3: {  	p0 =	sne.s32 s2, $0x0;
	_ =	strace $0x90000047  }
0xa4: {  	s0 =	sadd.s32 @!p0 $0x100000, s1;
	[bflag:$0x2] =	sbarrier.arrive $0xFFFF  }
0xa5: {  	[sflag:s0] =	ssyncadd.tile.s32 @!p0 $0x1;
	_ =	shalt  }
.Lfunc_end2:
_tile_overlayer_lowered:
.L_overlay_start_2:
0xa6: {  	(tag) =	ssettag $0x2  }
0xa7: {  	s0 =	rddreg [dreg:$0x0];
	s2 =	stileid.u32  }
0xa8: {  	s1 =	rddreg [dreg:$0x1];
	p0 =	sne.s32 s2, $0x0  }
0xa9: {  	s3 =	rddreg [dreg:$0x2];
	[bflag:$0x3] =	sbarrier.arrive $0xFFFF;
	s2 =	simm.s32 @!p0 $0x1C03  }
0xaa: {  	[timem:s3], [sflag:s2] =	dma.local @!p0 [hbm:s0], s1  }
0xab: {  	s0 =	simm.s32 @!p0 $0x3  }
0xac: {  	_ =	swait.ge @!p0 [sflag:s0], s1  }
0xad: {  	s1 =	ssub.s32 @!p0 $0x0, s1;
	[sflag:s0] =	ssyncset.done @!p0 $0x0  }
0xae: {  	[sflag:s0] =	ssyncadd.s32 @!p0 s1  }
0xaf: {  	[bflag:$0x3] =	sbarrier.arrive $0xFFFF  }
0xb0: {  	_ =	shalt  }

</sc_bundles>
